<compile_context>
chip_gen: v7x
topology: tpu7x:2x2x1
jax: 0.10.2.dev20260603
libtpu: 0.0.44.dev20260713+nightly
codegen_flags: <defaults>
</compile_context>

<pallas_src>
import functools

import jax
import jax.numpy as jnp
from jax import lax
from jax.experimental import pallas as pl
from jax.experimental.pallas import tpu as pltpu
from jax.experimental.pallas import tpu_sc as plsc

N = 10000
E = 320000
NC = 2
NS = 16
NW = NC * NS
EPW = E // NW
CH = 125
NCHUNK = EPW // CH
NBUF = 4
NPAD = 10240
RPT = NPAD // NS
CNTW = 8


def _seg_sum_sc(table, edge3):
    C = table.shape[1]
    NB1 = 8
    mesh = plsc.VectorSubcoreMesh(core_axis_name="c", subcore_axis_name="s")
    out_type = jax.ShapeDtypeStruct((NC, NPAD, C), jnp.float32)
    scratch = [
        pltpu.VMEM((NCHUNK, CH), jnp.int32),
        pltpu.VMEM((NCHUNK, CH), jnp.int32),
        [pltpu.VMEM((CH, C), jnp.float32) for _ in range(NB1)],
        [pltpu.SemaphoreType.DMA for _ in range(NB1)],
        pltpu.VMEM_SHARED((NPAD, C), jnp.float32),
    ]
    zeros_c = jnp.zeros((NPAD, C), jnp.float32)

    def body(tbl, e_h, zc_h, acc_o, sidx, didx, rows, sems, acc_sh):
        c = lax.axis_index("c")
        s = lax.axis_index("s")
        wid = c * NS + s
        r0 = s * RPT
        pltpu.sync_copy(zc_h.at[pl.ds(r0, RPT)], acc_sh.at[pl.ds(r0, RPT)])
        pltpu.sync_copy(e_h.at[0, wid], sidx)
        pltpu.sync_copy(e_h.at[1, wid], didx)
        plsc.subcore_barrier()

        @pl.loop(0, NCHUNK, step=NB1)
        def group(g):
            ds = [pltpu.async_copy(tbl.at[sidx.at[g + b]], rows[b], sems[b])
                  for b in range(NB1)]
            for b in range(NB1):
                ds[b].wait()
                pltpu.sync_copy(rows[b], acc_sh.at[didx.at[g + b]], add=True)

        plsc.subcore_barrier()
        pltpu.sync_copy(acc_sh.at[pl.ds(r0, RPT)], acc_o.at[c, pl.ds(r0, RPT)])

    k = pl.kernel(body, out_type=out_type, mesh=mesh,
                  scratch_types=scratch,
                  compiler_params=pltpu.CompilerParams(
                      use_tc_tiling_on_sc=False))
    return k(table, edge3, zeros_c)


def _tc_pre(x, W3l, W3r):
    BN = 1280
    D = x.shape[1]
    H = W3l.shape[1]

    def body(x_ref, wl_ref, wr_ref, p_ref, xr_ref):
        xb = x_ref[...]
        pb = jnp.dot(xb, wl_ref[...], preferred_element_type=jnp.float32)
        p_ref[...] = jnp.concatenate(
            [pb, jnp.ones((BN, CNTW), jnp.float32)], axis=1)
        xr_ref[...] = jnp.dot(xb, wr_ref[...], preferred_element_type=jnp.float32)

    return pl.pallas_call(
        body,
        grid=(NPAD // BN,),
        in_specs=[
            pl.BlockSpec((BN, D), lambda i: (i, 0)),
            pl.BlockSpec((D, H), lambda i: (0, 0)),
            pl.BlockSpec((D, H), lambda i: (0, 0)),
        ],
        out_specs=[pl.BlockSpec((BN, H + CNTW), lambda i: (i, 0)),
                   pl.BlockSpec((BN, H), lambda i: (i, 0))],
        out_shape=[jax.ShapeDtypeStruct((NPAD, H + CNTW), jnp.float32),
                   jax.ShapeDtypeStruct((NPAD, H), jnp.float32)],
    )(x, W3l, W3r)


def _sc_layer4_fused(acc1, xrp, b3, edge3):
    C = 32
    CW = acc1.shape[2]
    mesh = plsc.VectorSubcoreMesh(core_axis_name="c", subcore_axis_name="s")
    out_type = [jax.ShapeDtypeStruct((NPAD, C), jnp.float32),
                jax.ShapeDtypeStruct((NC, NPAD, C), jnp.float32)]
    scratch = [
        pltpu.VMEM((NCHUNK, CH), jnp.int32),
        pltpu.VMEM((NCHUNK, CH), jnp.int32),
        [pltpu.VMEM((CH, C), jnp.float32) for _ in range(NBUF)],
        [pltpu.SemaphoreType.DMA for _ in range(NBUF)],
        pltpu.VMEM_SHARED((NPAD, C), jnp.float32),
        pltpu.VMEM((RPT, CW), jnp.float32),
        pltpu.VMEM((RPT, CW), jnp.float32),
        pltpu.VMEM((RPT, C), jnp.float32),
        pltpu.VMEM((RPT,), jnp.float32),
        pltpu.VMEM((C,), jnp.float32),
    ]
    zeros_c = jnp.zeros((NPAD, C), jnp.float32)

    def body(a1_h, xr_h, b3_h, e_h, zc_h, h_o, acc_o,
             sidx, didx, rows, sems, acc_sh, a0v, a1v, xrv, rdv, b3v):
        c = lax.axis_index("c")
        s = lax.axis_index("s")
        wid = c * NS + s
        r0 = s * RPT
        pre = [
            pltpu.async_copy(zc_h.at[pl.ds(r0, RPT)],
                             acc_sh.at[pl.ds(r0, RPT)], sems[0]),
            pltpu.async_copy(e_h.at[0, wid], sidx, sems[1]),
            pltpu.async_copy(e_h.at[1, wid], didx, sems[2]),
            pltpu.async_copy(a1_h.at[0, pl.ds(r0, RPT)], a0v, sems[3]),
        ]
        pltpu.sync_copy(a1_h.at[1, pl.ds(r0, RPT)], a1v)
        pltpu.sync_copy(xr_h.at[pl.ds(r0, RPT)], xrv)
        pltpu.sync_copy(b3_h, b3v)
        for d in pre:
            d.wait()

        @pl.loop(0, RPT, step=16)
        def deg16(g):
            ridx = g + lax.iota(jnp.int32, 16)
            c32 = jnp.full((16,), C, jnp.int32)
            d0 = plsc.load_gather(a0v, [ridx, c32])
            d1 = plsc.load_gather(a1v, [ridx, c32])
            rdv[pl.ds(g, 16)] = 1.0 / jnp.maximum(d0 + d1, 1.0)

        @pl.loop(0, RPT, unroll=4)
        def hrow(r):
            rd = plsc.load_gather(rdv, [jnp.full((16,), r, jnp.int32)])
            for half in range(2):
                cs = pl.ds(half * 16, 16)
                v = ((a0v[r, cs] + a1v[r, cs]) * rd + b3v[cs] + xrv[r, cs])
                xrv[r, cs] = jnp.maximum(v, 0.0)

        pltpu.sync_copy(xrv, h_o.at[pl.ds(r0, RPT)])
        plsc.subcore_barrier()

        @pl.loop(0, NCHUNK, step=NBUF)
        def group(g):
            ds = [pltpu.async_copy(h_o.at[sidx.at[g + b]], rows[b], sems[b])
                  for b in range(NBUF)]
            for b in range(NBUF):
                ds[b].wait()
                pltpu.sync_copy(rows[b], acc_sh.at[didx.at[g + b]], add=True)

        plsc.subcore_barrier()
        pltpu.sync_copy(acc_sh.at[pl.ds(r0, RPT)], acc_o.at[c, pl.ds(r0, RPT)])

    k = pl.kernel(body, out_type=out_type, mesh=mesh, scratch_types=scratch,
                  compiler_params=pltpu.CompilerParams(
                      use_tc_tiling_on_sc=False, needs_layout_passes=False))
    return k(acc1, xrp, b3, edge3, zeros_c)


def _tc_out(acc2, acc1, h, W4l, W4r, b4):
    BN = 2000
    H = h.shape[1]
    CW = acc1.shape[2]
    O = W4l.shape[1]

    def body(a_ref, a1_ref, h_ref, wl_ref, wr_ref, b_ref, o_ref):
        a = a_ref[...]
        a1 = a1_ref[...]
        deg = a1[0, :, H:H + 1] + a1[1, :, H:H + 1]
        mean = (a[0] + a[1]) / jnp.maximum(deg, 1.0)
        o = (jnp.dot(mean, wl_ref[...], preferred_element_type=jnp.float32)
             + b_ref[...]
             + jnp.dot(h_ref[...], wr_ref[...],
                       preferred_element_type=jnp.float32))
        m = jnp.max(o, axis=1, keepdims=True)
        eo = jnp.exp(o - m)
        o_ref[...] = o - m - jnp.log(jnp.sum(eo, axis=1, keepdims=True))

    return pl.pallas_call(
        body,
        grid=(N // BN,),
        in_specs=[
            pl.BlockSpec((NC, BN, H), lambda i: (0, i, 0)),
            pl.BlockSpec((NC, BN, CW), lambda i: (0, i, 0)),
            pl.BlockSpec((BN, H), lambda i: (i, 0)),
            pl.BlockSpec((H, O), lambda i: (0, 0)),
            pl.BlockSpec((H, O), lambda i: (0, 0)),
            pl.BlockSpec((1, O), lambda i: (0, 0)),
        ],
        out_specs=pl.BlockSpec((BN, O), lambda i: (i, 0)),
        out_shape=jax.ShapeDtypeStruct((N, O), jnp.float32),
    )(acc2, acc1, h, W4l, W4r, b4)


def kernel(x, edge_index, W1l, b1, W1r, W2l, b2, W2r, W3l, b3, W3r,
           W4l, b4, W4r):
    edge3 = edge_index.reshape(2, NW, NCHUNK, CH)
    p, xr = _tc_pre(x, W3l, W3r)
    acc1 = _seg_sum_sc(p, edge3)
    h, acc2 = _sc_layer4_fused(acc1, xr, b3, edge3)
    return _tc_out(acc2, acc1, h, W4l, W4r, b4.reshape(1, -1))

# --- scband reference (transcript-rebuilt; emitter-appended) ---
"""Pipeline reference for scband-graph-sage-64845416235694 (READ-ONLY COPY).

The authoritative reference and input builder live on the scoring server;
editing this copy changes nothing except your own understanding.
"""

import jax, jax.numpy as jnp
import numpy as np

N = 10000
E = 320000
D = 128
H = 128
OUT = 64


def _lin_init(key, fan_in, fan_out):
    s = 1.0 / np.sqrt(fan_in)
    kw, kb = jax.random.split(key)
    W = jax.random.uniform(kw, (fan_in, fan_out), minval=-s, maxval=s, dtype=jnp.float32)
    b = jax.random.uniform(kb, (fan_out,), minval=-s, maxval=s, dtype=jnp.float32)
    return W, b


def setup_inputs(seed: int = 0) -> dict:
    key = jax.random.key(seed)
    ks = jax.random.split(key, 10)
    x = jax.random.normal(ks[0], (N, D), dtype=jnp.float32)
    edge_index = jax.random.randint(ks[1], (2, E), 0, N, dtype=jnp.int32)
    # SAGEConv params: lin_l (neighbor path, has bias), lin_r (root path, no bias)
    W1l, b1 = _lin_init(ks[2], D, H)
    W1r, _ = _lin_init(ks[3], D, H)
    W2l, b2 = _lin_init(ks[4], D, 64)
    W2r, _ = _lin_init(ks[5], D, 64)
    W3l, b3 = _lin_init(ks[6], D, 32)
    W3r, _ = _lin_init(ks[7], D, 32)
    W4l, b4 = _lin_init(ks[8], 32, OUT)
    W4r, _ = _lin_init(ks[9], 32, OUT)
    return {"x": x, "edge_index": edge_index,
            "W1l": W1l, "b1": b1, "W1r": W1r,
            "W2l": W2l, "b2": b2, "W2r": W2r,
            "W3l": W3l, "b3": b3, "W3r": W3r,
            "W4l": W4l, "b4": b4, "W4r": W4r}


def _sage_conv(x_in, src, dst, Wl, b, Wr):
    # PyG SAGEConv (mean aggr): out = lin_l(mean_{j->i} x_j) + lin_r(x_i)
    msg = x_in[src]
    agg = jax.ops.segment_sum(msg, dst, num_segments=x_in.shape[0])
    cnt = jax.ops.segment_sum(jnp.ones((src.shape[0],), jnp.float32), dst, num_segments=x_in.shape[0])
    mean = agg / jnp.maximum(cnt, 1.0)[:, None]
    return mean @ Wl + b + x_in @ Wr


def reference(x, edge_index, W1l, b1, W1r, W2l, b2, W2r, W3l, b3, W3r, W4l, b4, W4r):
    src = edge_index[0]
    dst = edge_index[1]
    # Faithful to original forward (note: sage2 and sage3 both consume x,
    # overwriting h — this mirrors the source module exactly).
    # Dropout is a no-op in eval mode (training=False).
    h = jax.nn.relu(_sage_conv(x, src, dst, W1l, b1, W1r))
    h = jax.nn.relu(_sage_conv(x, src, dst, W2l, b2, W2r))
    h = jax.nn.relu(_sage_conv(x, src, dst, W3l, b3, W3r))
    h = _sage_conv(h, src, dst, W4l, b4, W4r)
    return jax.nn.log_softmax(h, axis=1)

if __name__ == "__main__":
    import jax
    _d = setup_inputs()
    print(jax.jit(kernel)(*tuple(_d.values())))

</pallas_src>

<mosaic_0001>
#map = affine_map<(d0, d1) -> (0, 0, 0)>
#map1 = affine_map<(d0, d1) -> (0, 0)>
#map2 = affine_map<(d0, d1) -> (0)>
#map3 = affine_map<(d0, d1) -> (0, 0, 0, 0)>
module attributes {stable_mosaic.version = 14 : i64} {
  func.func @body(%arg0: i32, %arg1: i32, %arg2: memref<2x10240x40xf32, #tpu.memory_space<hbm>>, %arg3: memref<10240x32xf32, #tpu.memory_space<hbm>>, %arg4: memref<32xf32, #tpu.memory_space<hbm>>, %arg5: memref<2x32x80x125xi32, #tpu.memory_space<hbm>>, %arg6: memref<10240x32xf32, #tpu.memory_space<hbm>>, %arg7: memref<10240x32xf32, #tpu.memory_space<hbm>>, %arg8: memref<2x10240x32xf32, #tpu.memory_space<hbm>>, %arg9: memref<80x125xi32, #tpu.memory_space<vmem>>, %arg10: memref<80x125xi32, #tpu.memory_space<vmem>>, %arg11: memref<125x32xf32, #tpu.memory_space<vmem>>, %arg12: memref<125x32xf32, #tpu.memory_space<vmem>>, %arg13: memref<125x32xf32, #tpu.memory_space<vmem>>, %arg14: memref<125x32xf32, #tpu.memory_space<vmem>>, %arg15: memref<!tpu.dma_semaphore, #tpu.memory_space<semaphore_mem>>, %arg16: memref<!tpu.dma_semaphore, #tpu.memory_space<semaphore_mem>>, %arg17: memref<!tpu.dma_semaphore, #tpu.memory_space<semaphore_mem>>, %arg18: memref<!tpu.dma_semaphore, #tpu.memory_space<semaphore_mem>>, %arg19: memref<10240x32xf32, #tpu.memory_space<vmem_shared>>, %arg20: memref<640x40xf32, #tpu.memory_space<vmem>>, %arg21: memref<640x40xf32, #tpu.memory_space<vmem>>, %arg22: memref<640x32xf32, #tpu.memory_space<vmem>>, %arg23: memref<640xf32, #tpu.memory_space<vmem>>, %arg24: memref<32xf32, #tpu.memory_space<vmem>>) attributes {dimension_semantics = [#tpu.dimension_semantics<core_parallel>, #tpu.dimension_semantics<subcore_parallel>], iteration_bounds = array<i64: 2, 16>, scalar_prefetch = 0 : i64, scratch_operands = 16 : i64, tpu.core_type = #tpu.core_type<sc_vector_subcore>, window_params = [{transform_indices = #map}, {transform_indices = #map1}, {transform_indices = #map2}, {transform_indices = #map3}, {transform_indices = #map1}, {transform_indices = #map1}, {transform_indices = #map}]} {
    %mul3A = arith.constant 16 : i32
    %mul3A_0 = arith.muli %arg0, %mul3A : i32
    %add3A = arith.addi %mul3A_0, %arg1 : i32
    %mul3A_1 = arith.constant 640 : i32
    %mul3A_2 = arith.muli %arg1, %mul3A_1 : i32
    %dma_start3A = arith.constant 0 : i32
    %dma_start3A_3 = tpu.memref_slice %arg19[%mul3A_2, %dma_start3A] : memref<10240x32xf32, #tpu.memory_space<vmem_shared>> -> memref<640x32xf32, #tpu.memory_space<vmem_shared>>
    %dma_start3A_4 = arith.constant 0 : i32
    %dma_start3A_5 = tpu.memref_slice %arg6[%mul3A_2, %dma_start3A_4] : memref<10240x32xf32, #tpu.memory_space<hbm>> -> memref<640x32xf32, #tpu.memory_space<hbm>>
    tpu.enqueue_dma source(%dma_start3A_5 : memref<640x32xf32, #tpu.memory_space<hbm>>) target(%dma_start3A_3 : memref<640x32xf32, #tpu.memory_space<vmem_shared>>) target_semaphore(%arg15 : memref<!tpu.dma_semaphore, #tpu.memory_space<semaphore_mem>>)
    %dma_start3A_6 = arith.constant 0 : i32
    %dma_start3A_7 = arith.constant 0 : i32
    %dma_start3A_8 = arith.constant 0 : i32
    %dma_start3A_9 = tpu.memref_slice %arg5[%dma_start3A_6, %add3A, %dma_start3A_7, %dma_start3A_8] : memref<2x32x80x125xi32, #tpu.memory_space<hbm>> -> memref<1x1x80x125xi32, #tpu.memory_space<hbm>>
    %dma_start3A_10 = tpu.memref_squeeze %dma_start3A_9 : memref<1x1x80x125xi32, #tpu.memory_space<hbm>> -> memref<80x125xi32, #tpu.memory_space<hbm>>
    %dma_start3A_11 = arith.constant 0 : i32
    %dma_start3A_12 = arith.constant 0 : i32
    %dma_start3A_13 = tpu.memref_slice %arg5[%dma_start3A_6, %add3A, %dma_start3A_11, %dma_start3A_12] : memref<2x32x80x125xi32, #tpu.memory_space<hbm>> -> memref<1x1x80x125xi32, #tpu.memory_space<hbm>>
    %dma_start3A_14 = tpu.memref_squeeze %dma_start3A_13 : memref<1x1x80x125xi32, #tpu.memory_space<hbm>> -> memref<80x125xi32, #tpu.memory_space<hbm>>
    tpu.enqueue_dma source(%dma_start3A_14 : memref<80x125xi32, #tpu.memory_space<hbm>>) target(%arg9 : memref<80x125xi32, #tpu.memory_space<vmem>>) target_semaphore(%arg16 : memref<!tpu.dma_semaphore, #tpu.memory_space<semaphore_mem>>)
    %dma_start3A_15 = arith.constant 1 : i32
    %dma_start3A_16 = arith.constant 0 : i32
    %dma_start3A_17 = arith.constant 0 : i32
    %dma_start3A_18 = tpu.memref_slice %arg5[%dma_start3A_15, %add3A, %dma_start3A_16, %dma_start3A_17] : memref<2x32x80x125xi32, #tpu.memory_space<hbm>> -> memref<1x1x80x125xi32, #tpu.memory_space<hbm>>
    %dma_start3A_19 = tpu.memref_squeeze %dma_start3A_18 : memref<1x1x80x125xi32, #tpu.memory_space<hbm>> -> memref<80x125xi32, #tpu.memory_space<hbm>>
    %dma_start3A_20 = arith.constant 0 : i32
    %dma_start3A_21 = arith.constant 0 : i32
    %dma_start3A_22 = tpu.memref_slice %arg5[%dma_start3A_15, %add3A, %dma_start3A_20, %dma_start3A_21] : memref<2x32x80x125xi32, #tpu.memory_space<hbm>> -> memref<1x1x80x125xi32, #tpu.memory_space<hbm>>
    %dma_start3A_23 = tpu.memref_squeeze %dma_start3A_22 : memref<1x1x80x125xi32, #tpu.memory_space<hbm>> -> memref<80x125xi32, #tpu.memory_space<hbm>>
    tpu.enqueue_dma source(%dma_start3A_23 : memref<80x125xi32, #tpu.memory_space<hbm>>) target(%arg10 : memref<80x125xi32, #tpu.memory_space<vmem>>) target_semaphore(%arg17 : memref<!tpu.dma_semaphore, #tpu.memory_space<semaphore_mem>>)
    %dma_start3A_24 = arith.constant 0 : i32
    %dma_start3A_25 = arith.constant 0 : i32
    %dma_start3A_26 = tpu.memref_slice %arg2[%dma_start3A_24, %mul3A_2, %dma_start3A_25] : memref<2x10240x40xf32, #tpu.memory_space<hbm>> -> memref<1x640x40xf32, #tpu.memory_space<hbm>>
    %dma_start3A_27 = tpu.memref_squeeze %dma_start3A_26 : memref<1x640x40xf32, #tpu.memory_space<hbm>> -> memref<640x40xf32, #tpu.memory_space<hbm>>
    %dma_start3A_28 = arith.constant 0 : i32
    %dma_start3A_29 = tpu.memref_slice %arg2[%dma_start3A_24, %mul3A_2, %dma_start3A_28] : memref<2x10240x40xf32, #tpu.memory_space<hbm>> -> memref<1x640x40xf32, #tpu.memory_space<hbm>>
    %dma_start3A_30 = tpu.memref_squeeze %dma_start3A_29 : memref<1x640x40xf32, #tpu.memory_space<hbm>> -> memref<640x40xf32, #tpu.memory_space<hbm>>
    tpu.enqueue_dma source(%dma_start3A_30 : memref<640x40xf32, #tpu.memory_space<hbm>>) target(%arg20 : memref<640x40xf32, #tpu.memory_space<vmem>>) target_semaphore(%arg18 : memref<!tpu.dma_semaphore, #tpu.memory_space<semaphore_mem>>)
    %run_scoped3A = arith.constant 1 : i32
    "tpu.region"() ({
      %run_scoped3A_74 = tpu.sem_alloc : memref<!tpu.dma_semaphore, #tpu.memory_space<semaphore_mem>>
      %dma_start3A_75 = arith.constant 0 : i32
      %dma_start3A_76 = tpu.memref_slice %arg2[%run_scoped3A, %mul3A_2, %dma_start3A_75] : memref<2x10240x40xf32, #tpu.memory_space<hbm>> -> memref<1x640x40xf32, #tpu.memory_space<hbm>>
      %dma_start3A_77 = tpu.memref_squeeze %dma_start3A_76 : memref<1x640x40xf32, #tpu.memory_space<hbm>> -> memref<640x40xf32, #tpu.memory_space<hbm>>
      %dma_start3A_78 = arith.constant 0 : i32
      %dma_start3A_79 = tpu.memref_slice %arg2[%run_scoped3A, %mul3A_2, %dma_start3A_78] : memref<2x10240x40xf32, #tpu.memory_space<hbm>> -> memref<1x640x40xf32, #tpu.memory_space<hbm>>
      %dma_start3A_80 = tpu.memref_squeeze %dma_start3A_79 : memref<1x640x40xf32, #tpu.memory_space<hbm>> -> memref<640x40xf32, #tpu.memory_space<hbm>>
      tpu.enqueue_dma source(%dma_start3A_80 : memref<640x40xf32, #tpu.memory_space<hbm>>) target(%arg21 : memref<640x40xf32, #tpu.memory_space<vmem>>) target_semaphore(%run_scoped3A_74 : memref<!tpu.dma_semaphore, #tpu.memory_space<semaphore_mem>>)
      %dma_wait3A_81 = arith.constant 0 : i32
      %dma_wait3A_82 = tpu.memref_slice %arg2[%run_scoped3A, %mul3A_2, %dma_wait3A_81] : memref<2x10240x40xf32, #tpu.memory_space<hbm>> -> memref<1x640x40xf32, #tpu.memory_space<hbm>>
      %dma_wait3A_83 = tpu.memref_squeeze %dma_wait3A_82 : memref<1x640x40xf32, #tpu.memory_space<hbm>> -> memref<640x40xf32, #tpu.memory_space<hbm>>
      %dma_wait3A_84 = arith.constant 0 : i32
      %dma_wait3A_85 = tpu.memref_slice %arg2[%run_scoped3A, %mul3A_2, %dma_wait3A_84] : memref<2x10240x40xf32, #tpu.memory_space<hbm>> -> memref<1x640x40xf32, #tpu.memory_space<hbm>>
      %dma_wait3A_86 = tpu.memref_squeeze %dma_wait3A_85 : memref<1x640x40xf32, #tpu.memory_space<hbm>> -> memref<640x40xf32, #tpu.memory_space<hbm>>
      tpu.wait_dma2 semaphore(%run_scoped3A_74 : memref<!tpu.dma_semaphore, #tpu.memory_space<semaphore_mem>>) src(%dma_wait3A_86 : memref<640x40xf32, #tpu.memory_space<hbm>>) dst(%arg21 : memref<640x40xf32, #tpu.memory_space<vmem>>)
      tpu.yield
    }) : () -> ()
    "tpu.region"() ({
      %run_scoped3A_74 = tpu.sem_alloc : memref<!tpu.dma_semaphore, #tpu.memory_space<semaphore_mem>>
      %dma_start3A_75 = arith.constant 0 : i32
      %dma_start3A_76 = tpu.memref_slice %arg3[%mul3A_2, %dma_start3A_75] : memref<10240x32xf32, #tpu.memory_space<hbm>> -> memref<640x32xf32, #tpu.memory_space<hbm>>
      %dma_start3A_77 = arith.constant 0 : i32
      %dma_start3A_78 = tpu.memref_slice %arg3[%mul3A_2, %dma_start3A_77] : memref<10240x32xf32, #tpu.memory_space<hbm>> -> memref<640x32xf32, #tpu.memory_space<hbm>>
      tpu.enqueue_dma source(%dma_start3A_78 : memref<640x32xf32, #tpu.memory_space<hbm>>) target(%arg22 : memref<640x32xf32, #tpu.memory_space<vmem>>) target_semaphore(%run_scoped3A_74 : memref<!tpu.dma_semaphore, #tpu.memory_space<semaphore_mem>>)
      %dma_wait3A_79 = arith.constant 0 : i32
      %dma_wait3A_80 = tpu.memref_slice %arg3[%mul3A_2, %dma_wait3A_79] : memref<10240x32xf32, #tpu.memory_space<hbm>> -> memref<640x32xf32, #tpu.memory_space<hbm>>
      %dma_wait3A_81 = arith.constant 0 : i32
      %dma_wait3A_82 = tpu.memref_slice %arg3[%mul3A_2, %dma_wait3A_81] : memref<10240x32xf32, #tpu.memory_space<hbm>> -> memref<640x32xf32, #tpu.memory_space<hbm>>
      tpu.wait_dma2 semaphore(%run_scoped3A_74 : memref<!tpu.dma_semaphore, #tpu.memory_space<semaphore_mem>>) src(%dma_wait3A_82 : memref<640x32xf32, #tpu.memory_space<hbm>>) dst(%arg22 : memref<640x32xf32, #tpu.memory_space<vmem>>)
      tpu.yield
    }) : () -> ()
    "tpu.region"() ({
      %run_scoped3A_74 = tpu.sem_alloc : memref<!tpu.dma_semaphore, #tpu.memory_space<semaphore_mem>>
      tpu.enqueue_dma source(%arg4 : memref<32xf32, #tpu.memory_space<hbm>>) target(%arg24 : memref<32xf32, #tpu.memory_space<vmem>>) target_semaphore(%run_scoped3A_74 : memref<!tpu.dma_semaphore, #tpu.memory_space<semaphore_mem>>)
      tpu.wait_dma2 semaphore(%run_scoped3A_74 : memref<!tpu.dma_semaphore, #tpu.memory_space<semaphore_mem>>) src(%arg4 : memref<32xf32, #tpu.memory_space<hbm>>) dst(%arg24 : memref<32xf32, #tpu.memory_space<vmem>>)
      tpu.yield
    }) : () -> ()
    %dma_wait3A = arith.constant 0 : i32
    %dma_wait3A_31 = tpu.memref_slice %arg19[%mul3A_2, %dma_wait3A] : memref<10240x32xf32, #tpu.memory_space<vmem_shared>> -> memref<640x32xf32, #tpu.memory_space<vmem_shared>>
    %dma_wait3A_32 = arith.constant 0 : i32
    %dma_wait3A_33 = tpu.memref_slice %arg6[%mul3A_2, %dma_wait3A_32] : memref<10240x32xf32, #tpu.memory_space<hbm>> -> memref<640x32xf32, #tpu.memory_space<hbm>>
    tpu.wait_dma2 semaphore(%arg15 : memref<!tpu.dma_semaphore, #tpu.memory_space<semaphore_mem>>) src(%dma_wait3A_33 : memref<640x32xf32, #tpu.memory_space<hbm>>) dst(%dma_wait3A_31 : memref<640x32xf32, #tpu.memory_space<vmem_shared>>)
    %dma_wait3A_34 = arith.constant 0 : i32
    %dma_wait3A_35 = arith.constant 0 : i32
    %dma_wait3A_36 = arith.constant 0 : i32
    %dma_wait3A_37 = tpu.memref_slice %arg5[%dma_wait3A_34, %add3A, %dma_wait3A_35, %dma_wait3A_36] : memref<2x32x80x125xi32, #tpu.memory_space<hbm>> -> memref<1x1x80x125xi32, #tpu.memory_space<hbm>>
    %dma_wait3A_38 = tpu.memref_squeeze %dma_wait3A_37 : memref<1x1x80x125xi32, #tpu.memory_space<hbm>> -> memref<80x125xi32, #tpu.memory_space<hbm>>
    %dma_wait3A_39 = arith.constant 0 : i32
    %dma_wait3A_40 = arith.constant 0 : i32
    %dma_wait3A_41 = tpu.memref_slice %arg5[%dma_wait3A_34, %add3A, %dma_wait3A_39, %dma_wait3A_40] : memref<2x32x80x125xi32, #tpu.memory_space<hbm>> -> memref<1x1x80x125xi32, #tpu.memory_space<hbm>>
    %dma_wait3A_42 = tpu.memref_squeeze %dma_wait3A_41 : memref<1x1x80x125xi32, #tpu.memory_space<hbm>> -> memref<80x125xi32, #tpu.memory_space<hbm>>
    tpu.wait_dma2 semaphore(%arg16 : memref<!tpu.dma_semaphore, #tpu.memory_space<semaphore_mem>>) src(%dma_wait3A_42 : memref<80x125xi32, #tpu.memory_space<hbm>>) dst(%arg9 : memref<80x125xi32, #tpu.memory_space<vmem>>)
    %dma_wait3A_43 = arith.constant 1 : i32
    %dma_wait3A_44 = arith.constant 0 : i32
    %dma_wait3A_45 = arith.constant 0 : i32
    %dma_wait3A_46 = tpu.memref_slice %arg5[%dma_wait3A_43, %add3A, %dma_wait3A_44, %dma_wait3A_45] : memref<2x32x80x125xi32, #tpu.memory_space<hbm>> -> memref<1x1x80x125xi32, #tpu.memory_space<hbm>>
    %dma_wait3A_47 = tpu.memref_squeeze %dma_wait3A_46 : memref<1x1x80x125xi32, #tpu.memory_space<hbm>> -> memref<80x125xi32, #tpu.memory_space<hbm>>
    %dma_wait3A_48 = arith.constant 0 : i32
    %dma_wait3A_49 = arith.constant 0 : i32
    %dma_wait3A_50 = tpu.memref_slice %arg5[%dma_wait3A_43, %add3A, %dma_wait3A_48, %dma_wait3A_49] : memref<2x32x80x125xi32, #tpu.memory_space<hbm>> -> memref<1x1x80x125xi32, #tpu.memory_space<hbm>>
    %dma_wait3A_51 = tpu.memref_squeeze %dma_wait3A_50 : memref<1x1x80x125xi32, #tpu.memory_space<hbm>> -> memref<80x125xi32, #tpu.memory_space<hbm>>
    tpu.wait_dma2 semaphore(%arg17 : memref<!tpu.dma_semaphore, #tpu.memory_space<semaphore_mem>>) src(%dma_wait3A_51 : memref<80x125xi32, #tpu.memory_space<hbm>>) dst(%arg10 : memref<80x125xi32, #tpu.memory_space<vmem>>)
    %dma_wait3A_52 = arith.constant 0 : i32
    %dma_wait3A_53 = arith.constant 0 : i32
    %dma_wait3A_54 = tpu.memref_slice %arg2[%dma_wait3A_52, %mul3A_2, %dma_wait3A_53] : memref<2x10240x40xf32, #tpu.memory_space<hbm>> -> memref<1x640x40xf32, #tpu.memory_space<hbm>>
    %dma_wait3A_55 = tpu.memref_squeeze %dma_wait3A_54 : memref<1x640x40xf32, #tpu.memory_space<hbm>> -> memref<640x40xf32, #tpu.memory_space<hbm>>
    %dma_wait3A_56 = arith.constant 0 : i32
    %dma_wait3A_57 = tpu.memref_slice %arg2[%dma_wait3A_52, %mul3A_2, %dma_wait3A_56] : memref<2x10240x40xf32, #tpu.memory_space<hbm>> -> memref<1x640x40xf32, #tpu.memory_space<hbm>>
    %dma_wait3A_58 = tpu.memref_squeeze %dma_wait3A_57 : memref<1x640x40xf32, #tpu.memory_space<hbm>> -> memref<640x40xf32, #tpu.memory_space<hbm>>
    tpu.wait_dma2 semaphore(%arg18 : memref<!tpu.dma_semaphore, #tpu.memory_space<semaphore_mem>>) src(%dma_wait3A_58 : memref<640x40xf32, #tpu.memory_space<hbm>>) dst(%arg20 : memref<640x40xf32, #tpu.memory_space<vmem>>)
    %scan3A = arith.constant 0 : i32
    %scan3A_59 = arith.constant 40 : i32
    %scan3A_60 = arith.addi %scan3A, %scan3A_59 : i32
    %scan3A_61 = arith.constant 1 : i32
    scf.for %scan3A_74 = %scan3A to %scan3A_60 step %scan3A_61  : i32 {
      %mul3A_75 = arith.constant 16 : i32
      %mul3A_76 = arith.muli %scan3A_74, %mul3A_75 : i32
      %add3A_77 = arith.constant 0 : i32
      %add3A_78 = arith.addi %add3A_77, %mul3A_76 : i32
      %iota3A = tpu.iota {dimensions = array<i32: 0>} : vector<16xi32>
      %add3A_79 = vector.broadcast %add3A_78 : i32 to vector<16xi32>
      %add3A_80 = arith.addi %add3A_79, %iota3A : vector<16xi32>
      %broadcast_in_dim3A = arith.constant 32 : i32
      %broadcast_in_dim3A_81 = vector.broadcast %broadcast_in_dim3A : i32 to vector<16xi32>
      %gather3A = tpu.vector_load_idx %arg20[%add3A_80, %broadcast_in_dim3A_81] : memref<640x40xf32, #tpu.memory_space<vmem>>[vector<16xi32>, vector<16xi32>], vector<16xf32>,
      %gather3A_82 = tpu.vector_load_idx %arg21[%add3A_80, %broadcast_in_dim3A_81] : memref<640x40xf32, #tpu.memory_space<vmem>>[vector<16xi32>, vector<16xi32>], vector<16xf32>,
      %add3A_83 = arith.addf %gather3A, %gather3A_82 : vector<16xf32>
      %max3A = arith.constant 1.000000e+00 : f32
      %max3A_84 = vector.broadcast %max3A : f32 to vector<16xf32>
      %max3A_85 = arith.maximumf %add3A_83, %max3A_84 : vector<16xf32>
      %div3A = arith.constant 1.000000e+00 : f32
      %div3A_86 = vector.broadcast %div3A : f32 to vector<16xf32>
      %div3A_87 = arith.divf %div3A_86, %max3A_85 : vector<16xf32>
      %swap3A = arith.index_cast %add3A_78 : i32 to index
      %swap3A_88 = tpu.vector_load %arg23[%swap3A] {strides = array<i32>} : memref<640xf32, #tpu.memory_space<vmem>>, vector<16xf32>,
      tpu.vector_store %arg23[%swap3A], %div3A_87 {strides = array<i32>} : memref<640xf32, #tpu.memory_space<vmem>>, vector<16xf32>,
    }
    %scan3A_62 = arith.constant 40 : i32
    %scan3A_63 = arith.constant 0 : i32
    %scan3A_64 = arith.constant 640 : i32
    %scan3A_65 = arith.addi %scan3A_63, %scan3A_64 : i32
    %scan3A_66 = arith.constant 4 : i32
    scf.for %scan3A_74 = %scan3A_63 to %scan3A_65 step %scan3A_66  : i32 {
      %mul3A_75 = arith.constant 1 : i32
      %mul3A_76 = arith.muli %scan3A_74, %mul3A_75 : i32
      %add3A_77 = arith.constant 0 : i32
      %add3A_78 = arith.addi %add3A_77, %mul3A_76 : i32
      %broadcast_in_dim3A = vector.broadcast %add3A_78 : i32 to vector<16xi32>
      %gather3A = tpu.vector_load_idx %arg23[%broadcast_in_dim3A] : memref<640xf32, #tpu.memory_space<vmem>>[vector<16xi32>], vector<16xf32>,
      %get3A = arith.index_cast %add3A_78 : i32 to index
      %get3A_79 = arith.constant 0 : index
      %get3A_80 = tpu.vector_load %arg20[%get3A, %get3A_79] {strides = array<i32>} : memref<640x40xf32, #tpu.memory_space<vmem>>, vector<16xf32>,
      %get3A_81 = arith.index_cast %add3A_78 : i32 to index
      %get3A_82 = arith.constant 0 : index
      %get3A_83 = tpu.vector_load %arg21[%get3A_81, %get3A_82] {strides = array<i32>} : memref<640x40xf32, #tpu.memory_space<vmem>>, vector<16xf32>,
      %add3A_84 = arith.addf %get3A_80, %get3A_83 : vector<16xf32>
      %mul3A_85 = arith.mulf %add3A_84, %gather3A : vector<16xf32>
      %get3A_86 = arith.constant 0 : index
      %get3A_87 = tpu.vector_load %arg24[%get3A_86] {strides = array<i32>} : memref<32xf32, #tpu.memory_space<vmem>>, vector<16xf32>,
      %add3A_88 = arith.addf %mul3A_85, %get3A_87 : vector<16xf32>
      %get3A_89 = arith.index_cast %add3A_78 : i32 to index
      %get3A_90 = arith.constant 0 : index
      %get3A_91 = tpu.vector_load %arg22[%get3A_89, %get3A_90] {strides = array<i32>} : memref<640x32xf32, #tpu.memory_space<vmem>>, vector<16xf32>,
      %add3A_92 = arith.addf %add3A_88, %get3A_91 : vector<16xf32>
      %max3A = arith.constant 0.000000e+00 : f32
      %max3A_93 = vector.broadcast %max3A : f32 to vector<16xf32>
      %max3A_94 = arith.maximumf %add3A_92, %max3A_93 : vector<16xf32>
      %swap3A = arith.index_cast %add3A_78 : i32 to index
      %swap3A_95 = arith.constant 0 : index
      %swap3A_96 = tpu.vector_load %arg22[%swap3A, %swap3A_95] {strides = array<i32>} : memref<640x32xf32, #tpu.memory_space<vmem>>, vector<16xf32>,
      tpu.vector_store %arg22[%swap3A, %swap3A_95], %max3A_94 {strides = array<i32>} : memref<640x32xf32, #tpu.memory_space<vmem>>, vector<16xf32>,
      %get3A_97 = arith.index_cast %add3A_78 : i32 to index
      %get3A_98 = arith.constant 16 : index
      %get3A_99 = tpu.vector_load %arg20[%get3A_97, %get3A_98] {strides = array<i32>} : memref<640x40xf32, #tpu.memory_space<vmem>>, vector<16xf32>,
      %get3A_100 = arith.index_cast %add3A_78 : i32 to index
      %get3A_101 = arith.constant 16 : index
      %get3A_102 = tpu.vector_load %arg21[%get3A_100, %get3A_101] {strides = array<i32>} : memref<640x40xf32, #tpu.memory_space<vmem>>, vector<16xf32>,
      %add3A_103 = arith.addf %get3A_99, %get3A_102 : vector<16xf32>
      %mul3A_104 = arith.mulf %add3A_103, %gather3A : vector<16xf32>
      %get3A_105 = arith.constant 16 : index
      %get3A_106 = tpu.vector_load %arg24[%get3A_105] {strides = array<i32>} : memref<32xf32, #tpu.memory_space<vmem>>, vector<16xf32>,
      %add3A_107 = arith.addf %mul3A_104, %get3A_106 : vector<16xf32>
      %get3A_108 = arith.index_cast %add3A_78 : i32 to index
      %get3A_109 = arith.constant 16 : index
      %get3A_110 = tpu.vector_load %arg22[%get3A_108, %get3A_109] {strides = array<i32>} : memref<640x32xf32, #tpu.memory_space<vmem>>, vector<16xf32>,
      %add3A_111 = arith.addf %add3A_107, %get3A_110 : vector<16xf32>
      %max3A_112 = arith.constant 0.000000e+00 : f32
      %max3A_113 = vector.broadcast %max3A_112 : f32 to vector<16xf32>
      %max3A_114 = arith.maximumf %add3A_111, %max3A_113 : vector<16xf32>
      %swap3A_115 = arith.index_cast %add3A_78 : i32 to index
      %swap3A_116 = arith.constant 16 : index
      %swap3A_117 = tpu.vector_load %arg22[%swap3A_115, %swap3A_116] {strides = array<i32>} : memref<640x32xf32, #tpu.memory_space<vmem>>, vector<16xf32>,
      tpu.vector_store %arg22[%swap3A_115, %swap3A_116], %max3A_114 {strides = array<i32>} : memref<640x32xf32, #tpu.memory_space<vmem>>, vector<16xf32>,
      %scan3A_118 = arith.constant 1 : i32
      %scan3A_119 = arith.addi %scan3A_74, %scan3A_118 : i32
      %mul3A_120 = arith.constant 1 : i32
      %mul3A_121 = arith.muli %scan3A_119, %mul3A_120 : i32
      %add3A_122 = arith.constant 0 : i32
      %add3A_123 = arith.addi %add3A_122, %mul3A_121 : i32
      %broadcast_in_dim3A_124 = vector.broadcast %add3A_123 : i32 to vector<16xi32>
      %gather3A_125 = tpu.vector_load_idx %arg23[%broadcast_in_dim3A_124] : memref<640xf32, #tpu.memory_space<vmem>>[vector<16xi32>], vector<16xf32>,
      %get3A_126 = arith.index_cast %add3A_123 : i32 to index
      %get3A_127 = arith.constant 0 : index
      %get3A_128 = tpu.vector_load %arg20[%get3A_126, %get3A_127] {strides = array<i32>} : memref<640x40xf32, #tpu.memory_space<vmem>>, vector<16xf32>,
      %get3A_129 = arith.index_cast %add3A_123 : i32 to index
      %get3A_130 = arith.constant 0 : index
      %get3A_131 = tpu.vector_load %arg21[%get3A_129, %get3A_130] {strides = array<i32>} : memref<640x40xf32, #tpu.memory_space<vmem>>, vector<16xf32>,
      %add3A_132 = arith.addf %get3A_128, %get3A_131 : vector<16xf32>
      %mul3A_133 = arith.mulf %add3A_132, %gather3A_125 : vector<16xf32>
      %get3A_134 = arith.constant 0 : index
      %get3A_135 = tpu.vector_load %arg24[%get3A_134] {strides = array<i32>} : memref<32xf32, #tpu.memory_space<vmem>>, vector<16xf32>,
      %add3A_136 = arith.addf %mul3A_133, %get3A_135 : vector<16xf32>
      %get3A_137 = arith.index_cast %add3A_123 : i32 to index
      %get3A_138 = arith.constant 0 : index
      %get3A_139 = tpu.vector_load %arg22[%get3A_137, %get3A_138] {strides = array<i32>} : memref<640x32xf32, #tpu.memory_space<vmem>>, vector<16xf32>,
      %add3A_140 = arith.addf %add3A_136, %get3A_139 : vector<16xf32>
      %max3A_141 = arith.constant 0.000000e+00 : f32
      %max3A_142 = vector.broadcast %max3A_141 : f32 to vector<16xf32>
      %max3A_143 = arith.maximumf %add3A_140, %max3A_142 : vector<16xf32>
      %swap3A_144 = arith.index_cast %add3A_123 : i32 to index
      %swap3A_145 = arith.constant 0 : index
      %swap3A_146 = tpu.vector_load %arg22[%swap3A_144, %swap3A_145] {strides = array<i32>} : memref<640x32xf32, #tpu.memory_space<vmem>>, vector<16xf32>,
      tpu.vector_store %arg22[%swap3A_144, %swap3A_145], %max3A_143 {strides = array<i32>} : memref<640x32xf32, #tpu.memory_space<vmem>>, vector<16xf32>,
      %get3A_147 = arith.index_cast %add3A_123 : i32 to index
      %get3A_148 = arith.constant 16 : index
      %get3A_149 = tpu.vector_load %arg20[%get3A_147, %get3A_148] {strides = array<i32>} : memref<640x40xf32, #tpu.memory_space<vmem>>, vector<16xf32>,
      %get3A_150 = arith.index_cast %add3A_123 : i32 to index
      %get3A_151 = arith.constant 16 : index
      %get3A_152 = tpu.vector_load %arg21[%get3A_150, %get3A_151] {strides = array<i32>} : memref<640x40xf32, #tpu.memory_space<vmem>>, vector<16xf32>,
      %add3A_153 = arith.addf %get3A_149, %get3A_152 : vector<16xf32>
      %mul3A_154 = arith.mulf %add3A_153, %gather3A_125 : vector<16xf32>
      %get3A_155 = arith.constant 16 : index
      %get3A_156 = tpu.vector_load %arg24[%get3A_155] {strides = array<i32>} : memref<32xf32, #tpu.memory_space<vmem>>, vector<16xf32>,
      %add3A_157 = arith.addf %mul3A_154, %get3A_156 : vector<16xf32>
      %get3A_158 = arith.index_cast %add3A_123 : i32 to index
      %get3A_159 = arith.constant 16 : index
      %get3A_160 = tpu.vector_load %arg22[%get3A_158, %get3A_159] {strides = array<i32>} : memref<640x32xf32, #tpu.memory_space<vmem>>, vector<16xf32>,
      %add3A_161 = arith.addf %add3A_157, %get3A_160 : vector<16xf32>
      %max3A_162 = arith.constant 0.000000e+00 : f32
      %max3A_163 = vector.broadcast %max3A_162 : f32 to vector<16xf32>
      %max3A_164 = arith.maximumf %add3A_161, %max3A_163 : vector<16xf32>
      %swap3A_165 = arith.index_cast %add3A_123 : i32 to index
      %swap3A_166 = arith.constant 16 : index
      %swap3A_167 = tpu.vector_load %arg22[%swap3A_165, %swap3A_166] {strides = array<i32>} : memref<640x32xf32, #tpu.memory_space<vmem>>, vector<16xf32>,
      tpu.vector_store %arg22[%swap3A_165, %swap3A_166], %max3A_164 {strides = array<i32>} : memref<640x32xf32, #tpu.memory_space<vmem>>, vector<16xf32>,
      %scan3A_168 = arith.constant 2 : i32
      %scan3A_169 = arith.addi %scan3A_74, %scan3A_168 : i32
      %mul3A_170 = arith.constant 1 : i32
      %mul3A_171 = arith.muli %scan3A_169, %mul3A_170 : i32
      %add3A_172 = arith.constant 0 : i32
      %add3A_173 = arith.addi %add3A_172, %mul3A_171 : i32
      %broadcast_in_dim3A_174 = vector.broadcast %add3A_173 : i32 to vector<16xi32>
      %gather3A_175 = tpu.vector_load_idx %arg23[%broadcast_in_dim3A_174] : memref<640xf32, #tpu.memory_space<vmem>>[vector<16xi32>], vector<16xf32>,
      %get3A_176 = arith.index_cast %add3A_173 : i32 to index
      %get3A_177 = arith.constant 0 : index
      %get3A_178 = tpu.vector_load %arg20[%get3A_176, %get3A_177] {strides = array<i32>} : memref<640x40xf32, #tpu.memory_space<vmem>>, vector<16xf32>,
      %get3A_179 = arith.index_cast %add3A_173 : i32 to index
      %get3A_180 = arith.constant 0 : index
      %get3A_181 = tpu.vector_load %arg21[%get3A_179, %get3A_180] {strides = array<i32>} : memref<640x40xf32, #tpu.memory_space<vmem>>, vector<16xf32>,
      %add3A_182 = arith.addf %get3A_178, %get3A_181 : vector<16xf32>
      %mul3A_183 = arith.mulf %add3A_182, %gather3A_175 : vector<16xf32>
      %get3A_184 = arith.constant 0 : index
      %get3A_185 = tpu.vector_load %arg24[%get3A_184] {strides = array<i32>} : memref<32xf32, #tpu.memory_space<vmem>>, vector<16xf32>,
      %add3A_186 = arith.addf %mul3A_183, %get3A_185 : vector<16xf32>
      %get3A_187 = arith.index_cast %add3A_173 : i32 to index
      %get3A_188 = arith.constant 0 : index
      %get3A_189 = tpu.vector_load %arg22[%get3A_187, %get3A_188] {strides = array<i32>} : memref<640x32xf32, #tpu.memory_space<vmem>>, vector<16xf32>,
      %add3A_190 = arith.addf %add3A_186, %get3A_189 : vector<16xf32>
      %max3A_191 = arith.constant 0.000000e+00 : f32
      %max3A_192 = vector.broadcast %max3A_191 : f32 to vector<16xf32>
      %max3A_193 = arith.maximumf %add3A_190, %max3A_192 : vector<16xf32>
      %swap3A_194 = arith.index_cast %add3A_173 : i32 to index
      %swap3A_195 = arith.constant 0 : index
      %swap3A_196 = tpu.vector_load %arg22[%swap3A_194, %swap3A_195] {strides = array<i32>} : memref<640x32xf32, #tpu.memory_space<vmem>>, vector<16xf32>,
      tpu.vector_store %arg22[%swap3A_194, %swap3A_195], %max3A_193 {strides = array<i32>} : memref<640x32xf32, #tpu.memory_space<vmem>>, vector<16xf32>,
      %get3A_197 = arith.index_cast %add3A_173 : i32 to index
      %get3A_198 = arith.constant 16 : index
      %get3A_199 = tpu.vector_load %arg20[%get3A_197, %get3A_198] {strides = array<i32>} : memref<640x40xf32, #tpu.memory_space<vmem>>, vector<16xf32>,
      %get3A_200 = arith.index_cast %add3A_173 : i32 to index
      %get3A_201 = arith.constant 16 : index
      %get3A_202 = tpu.vector_load %arg21[%get3A_200, %get3A_201] {strides = array<i32>} : memref<640x40xf32, #tpu.memory_space<vmem>>, vector<16xf32>,
      %add3A_203 = arith.addf %get3A_199, %get3A_202 : vector<16xf32>
      %mul3A_204 = arith.mulf %add3A_203, %gather3A_175 : vector<16xf32>
      %get3A_205 = arith.constant 16 : index
      %get3A_206 = tpu.vector_load %arg24[%get3A_205] {strides = array<i32>} : memref<32xf32, #tpu.memory_space<vmem>>, vector<16xf32>,
      %add3A_207 = arith.addf %mul3A_204, %get3A_206 : vector<16xf32>
      %get3A_208 = arith.index_cast %add3A_173 : i32 to index
      %get3A_209 = arith.constant 16 : index
      %get3A_210 = tpu.vector_load %arg22[%get3A_208, %get3A_209] {strides = array<i32>} : memref<640x32xf32, #tpu.memory_space<vmem>>, vector<16xf32>,
      %add3A_211 = arith.addf %add3A_207, %get3A_210 : vector<16xf32>
      %max3A_212 = arith.constant 0.000000e+00 : f32
      %max3A_213 = vector.broadcast %max3A_212 : f32 to vector<16xf32>
      %max3A_214 = arith.maximumf %add3A_211, %max3A_213 : vector<16xf32>
      %swap3A_215 = arith.index_cast %add3A_173 : i32 to index
      %swap3A_216 = arith.constant 16 : index
      %swap3A_217 = tpu.vector_load %arg22[%swap3A_215, %swap3A_216] {strides = array<i32>} : memref<640x32xf32, #tpu.memory_space<vmem>>, vector<16xf32>,
      tpu.vector_store %arg22[%swap3A_215, %swap3A_216], %max3A_214 {strides = array<i32>} : memref<640x32xf32, #tpu.memory_space<vmem>>, vector<16xf32>,
      %scan3A_218 = arith.constant 3 : i32
      %scan3A_219 = arith.addi %scan3A_74, %scan3A_218 : i32
      %mul3A_220 = arith.constant 1 : i32
      %mul3A_221 = arith.muli %scan3A_219, %mul3A_220 : i32
      %add3A_222 = arith.constant 0 : i32
      %add3A_223 = arith.addi %add3A_222, %mul3A_221 : i32
      %broadcast_in_dim3A_224 = vector.broadcast %add3A_223 : i32 to vector<16xi32>
      %gather3A_225 = tpu.vector_load_idx %arg23[%broadcast_in_dim3A_224] : memref<640xf32, #tpu.memory_space<vmem>>[vector<16xi32>], vector<16xf32>,
      %get3A_226 = arith.index_cast %add3A_223 : i32 to index
      %get3A_227 = arith.constant 0 : index
      %get3A_228 = tpu.vector_load %arg20[%get3A_226, %get3A_227] {strides = array<i32>} : memref<640x40xf32, #tpu.memory_space<vmem>>, vector<16xf32>,
      %get3A_229 = arith.index_cast %add3A_223 : i32 to index
      %get3A_230 = arith.constant 0 : index
      %get3A_231 = tpu.vector_load %arg21[%get3A_229, %get3A_230] {strides = array<i32>} : memref<640x40xf32, #tpu.memory_space<vmem>>, vector<16xf32>,
      %add3A_232 = arith.addf %get3A_228, %get3A_231 : vector<16xf32>
      %mul3A_233 = arith.mulf %add3A_232, %gather3A_225 : vector<16xf32>
      %get3A_234 = arith.constant 0 : index
      %get3A_235 = tpu.vector_load %arg24[%get3A_234] {strides = array<i32>} : memref<32xf32, #tpu.memory_space<vmem>>, vector<16xf32>,
      %add3A_236 = arith.addf %mul3A_233, %get3A_235 : vector<16xf32>
      %get3A_237 = arith.index_cast %add3A_223 : i32 to index
      %get3A_238 = arith.constant 0 : index
      %get3A_239 = tpu.vector_load %arg22[%get3A_237, %get3A_238] {strides = array<i32>} : memref<640x32xf32, #tpu.memory_space<vmem>>, vector<16xf32>,
      %add3A_240 = arith.addf %add3A_236, %get3A_239 : vector<16xf32>
      %max3A_241 = arith.constant 0.000000e+00 : f32
      %max3A_242 = vector.broadcast %max3A_241 : f32 to vector<16xf32>
      %max3A_243 = arith.maximumf %add3A_240, %max3A_242 : vector<16xf32>
      %swap3A_244 = arith.index_cast %add3A_223 : i32 to index
      %swap3A_245 = arith.constant 0 : index
      %swap3A_246 = tpu.vector_load %arg22[%swap3A_244, %swap3A_245] {strides = array<i32>} : memref<640x32xf32, #tpu.memory_space<vmem>>, vector<16xf32>,
      tpu.vector_store %arg22[%swap3A_244, %swap3A_245], %max3A_243 {strides = array<i32>} : memref<640x32xf32, #tpu.memory_space<vmem>>, vector<16xf32>,
      %get3A_247 = arith.index_cast %add3A_223 : i32 to index
      %get3A_248 = arith.constant 16 : index
      %get3A_249 = tpu.vector_load %arg20[%get3A_247, %get3A_248] {strides = array<i32>} : memref<640x40xf32, #tpu.memory_space<vmem>>, vector<16xf32>,
      %get3A_250 = arith.index_cast %add3A_223 : i32 to index
      %get3A_251 = arith.constant 16 : index
      %get3A_252 = tpu.vector_load %arg21[%get3A_250, %get3A_251] {strides = array<i32>} : memref<640x40xf32, #tpu.memory_space<vmem>>, vector<16xf32>,
      %add3A_253 = arith.addf %get3A_249, %get3A_252 : vector<16xf32>
      %mul3A_254 = arith.mulf %add3A_253, %gather3A_225 : vector<16xf32>
      %get3A_255 = arith.constant 16 : index
      %get3A_256 = tpu.vector_load %arg24[%get3A_255] {strides = array<i32>} : memref<32xf32, #tpu.memory_space<vmem>>, vector<16xf32>,
      %add3A_257 = arith.addf %mul3A_254, %get3A_256 : vector<16xf32>
      %get3A_258 = arith.index_cast %add3A_223 : i32 to index
      %get3A_259 = arith.constant 16 : index
      %get3A_260 = tpu.vector_load %arg22[%get3A_258, %get3A_259] {strides = array<i32>} : memref<640x32xf32, #tpu.memory_space<vmem>>, vector<16xf32>,
      %add3A_261 = arith.addf %add3A_257, %get3A_260 : vector<16xf32>
      %max3A_262 = arith.constant 0.000000e+00 : f32
      %max3A_263 = vector.broadcast %max3A_262 : f32 to vector<16xf32>
      %max3A_264 = arith.maximumf %add3A_261, %max3A_263 : vector<16xf32>
      %swap3A_265 = arith.index_cast %add3A_223 : i32 to index
      %swap3A_266 = arith.constant 16 : index
      %swap3A_267 = tpu.vector_load %arg22[%swap3A_265, %swap3A_266] {strides = array<i32>} : memref<640x32xf32, #tpu.memory_space<vmem>>, vector<16xf32>,
      tpu.vector_store %arg22[%swap3A_265, %swap3A_266], %max3A_264 {strides = array<i32>} : memref<640x32xf32, #tpu.memory_space<vmem>>, vector<16xf32>,
    }
    %scan3A_67 = arith.constant 640 : i32
    "tpu.region"() ({
      %run_scoped3A_74 = tpu.sem_alloc : memref<!tpu.dma_semaphore, #tpu.memory_space<semaphore_mem>>
      %dma_start3A_75 = arith.constant 0 : i32
      %dma_start3A_76 = tpu.memref_slice %arg7[%mul3A_2, %dma_start3A_75] : memref<10240x32xf32, #tpu.memory_space<hbm>> -> memref<640x32xf32, #tpu.memory_space<hbm>>
      %dma_start3A_77 = arith.constant 0 : i32
      %dma_start3A_78 = tpu.memref_slice %arg7[%mul3A_2, %dma_start3A_77] : memref<10240x32xf32, #tpu.memory_space<hbm>> -> memref<640x32xf32, #tpu.memory_space<hbm>>
      tpu.enqueue_dma source(%arg22 : memref<640x32xf32, #tpu.memory_space<vmem>>) target(%dma_start3A_78 : memref<640x32xf32, #tpu.memory_space<hbm>>) target_semaphore(%run_scoped3A_74 : memref<!tpu.dma_semaphore, #tpu.memory_space<semaphore_mem>>)
      %dma_wait3A_79 = arith.constant 0 : i32
      %dma_wait3A_80 = tpu.memref_slice %arg7[%mul3A_2, %dma_wait3A_79] : memref<10240x32xf32, #tpu.memory_space<hbm>> -> memref<640x32xf32, #tpu.memory_space<hbm>>
      %dma_wait3A_81 = arith.constant 0 : i32
      %dma_wait3A_82 = tpu.memref_slice %arg7[%mul3A_2, %dma_wait3A_81] : memref<10240x32xf32, #tpu.memory_space<hbm>> -> memref<640x32xf32, #tpu.memory_space<hbm>>
      tpu.wait_dma2 semaphore(%run_scoped3A_74 : memref<!tpu.dma_semaphore, #tpu.memory_space<semaphore_mem>>) src(%arg22 : memref<640x32xf32, #tpu.memory_space<vmem>>) dst(%dma_wait3A_82 : memref<640x32xf32, #tpu.memory_space<hbm>>)
      tpu.yield
    }) : () -> ()
    %barrier3A = arith.constant 0 : index
    tpu.barrier barrier_id(%barrier3A)
    %scan3A_68 = arith.constant 0 : i32
    %scan3A_69 = arith.constant 20 : i32
    %scan3A_70 = arith.addi %scan3A_68, %scan3A_69 : i32
    %scan3A_71 = arith.constant 1 : i32
    scf.for %scan3A_74 = %scan3A_68 to %scan3A_70 step %scan3A_71  : i32 {
      %mul3A_75 = arith.constant 4 : i32
      %mul3A_76 = arith.muli %scan3A_74, %mul3A_75 : i32
      %add3A_77 = arith.constant 0 : i32
      %add3A_78 = arith.addi %add3A_77, %mul3A_76 : i32
      %add3A_79 = arith.constant 0 : i32
      %add3A_80 = arith.addi %add3A_78, %add3A_79 : i32
      %dma_start3A_81 = arith.constant 0 : i32
      %dma_start3A_82 = tpu.memref_slice %arg9[%add3A_80, %dma_start3A_81] : memref<80x125xi32, #tpu.memory_space<vmem>> -> memref<1x125xi32, #tpu.memory_space<vmem>>
      %dma_start3A_83 = tpu.memref_squeeze %dma_start3A_82 : memref<1x125xi32, #tpu.memory_space<vmem>> -> memref<125xi32, #tpu.memory_space<vmem>>
      %dma_start3A_84 = arith.constant 0 : i32
      %dma_start3A_85 = arith.constant 0 : i32
      %dma_start3A_86 = tpu.memref_slice %arg7[%dma_start3A_84, %dma_start3A_85] : memref<10240x32xf32, #tpu.memory_space<hbm>> -> memref<10240x32xf32, #tpu.memory_space<hbm>>
      tpu.enqueue_indirect_dma source(%dma_start3A_86 : memref<10240x32xf32, #tpu.memory_space<hbm>>) target(%arg11 : memref<125x32xf32, #tpu.memory_space<vmem>>) offsets(%dma_start3A_83 : memref<125xi32, #tpu.memory_space<vmem>>) semaphore(%arg15 : memref<!tpu.dma_semaphore, #tpu.memory_space<semaphore_mem>>)
      %add3A_87 = arith.constant 1 : i32
      %add3A_88 = arith.addi %add3A_78, %add3A_87 : i32
      %dma_start3A_89 = arith.constant 0 : i32
      %dma_start3A_90 = tpu.memref_slice %arg9[%add3A_88, %dma_start3A_89] : memref<80x125xi32, #tpu.memory_space<vmem>> -> memref<1x125xi32, #tpu.memory_space<vmem>>
      %dma_start3A_91 = tpu.memref_squeeze %dma_start3A_90 : memref<1x125xi32, #tpu.memory_space<vmem>> -> memref<125xi32, #tpu.memory_space<vmem>>
      %dma_start3A_92 = arith.constant 0 : i32
      %dma_start3A_93 = arith.constant 0 : i32
      %dma_start3A_94 = tpu.memref_slice %arg7[%dma_start3A_92, %dma_start3A_93] : memref<10240x32xf32, #tpu.memory_space<hbm>> -> memref<10240x32xf32, #tpu.memory_space<hbm>>
      tpu.enqueue_indirect_dma source(%dma_start3A_94 : memref<10240x32xf32, #tpu.memory_space<hbm>>) target(%arg12 : memref<125x32xf32, #tpu.memory_space<vmem>>) offsets(%dma_start3A_91 : memref<125xi32, #tpu.memory_space<vmem>>) semaphore(%arg16 : memref<!tpu.dma_semaphore, #tpu.memory_space<semaphore_mem>>)
      %add3A_95 = arith.constant 2 : i32
      %add3A_96 = arith.addi %add3A_78, %add3A_95 : i32
      %dma_start3A_97 = arith.constant 0 : i32
      %dma_start3A_98 = tpu.memref_slice %arg9[%add3A_96, %dma_start3A_97] : memref<80x125xi32, #tpu.memory_space<vmem>> -> memref<1x125xi32, #tpu.memory_space<vmem>>
      %dma_start3A_99 = tpu.memref_squeeze %dma_start3A_98 : memref<1x125xi32, #tpu.memory_space<vmem>> -> memref<125xi32, #tpu.memory_space<vmem>>
      %dma_start3A_100 = arith.constant 0 : i32
      %dma_start3A_101 = arith.constant 0 : i32
      %dma_start3A_102 = tpu.memref_slice %arg7[%dma_start3A_100, %dma_start3A_101] : memref<10240x32xf32, #tpu.memory_space<hbm>> -> memref<10240x32xf32, #tpu.memory_space<hbm>>
      tpu.enqueue_indirect_dma source(%dma_start3A_102 : memref<10240x32xf32, #tpu.memory_space<hbm>>) target(%arg13 : memref<125x32xf32, #tpu.memory_space<vmem>>) offsets(%dma_start3A_99 : memref<125xi32, #tpu.memory_space<vmem>>) semaphore(%arg17 : memref<!tpu.dma_semaphore, #tpu.memory_space<semaphore_mem>>)
      %add3A_103 = arith.constant 3 : i32
      %add3A_104 = arith.addi %add3A_78, %add3A_103 : i32
      %dma_start3A_105 = arith.constant 0 : i32
      %dma_start3A_106 = tpu.memref_slice %arg9[%add3A_104, %dma_start3A_105] : memref<80x125xi32, #tpu.memory_space<vmem>> -> memref<1x125xi32, #tpu.memory_space<vmem>>
      %dma_start3A_107 = tpu.memref_squeeze %dma_start3A_106 : memref<1x125xi32, #tpu.memory_space<vmem>> -> memref<125xi32, #tpu.memory_space<vmem>>
      %dma_start3A_108 = arith.constant 0 : i32
      %dma_start3A_109 = arith.constant 0 : i32
      %dma_start3A_110 = tpu.memref_slice %arg7[%dma_start3A_108, %dma_start3A_109] : memref<10240x32xf32, #tpu.memory_space<hbm>> -> memref<10240x32xf32, #tpu.memory_space<hbm>>
      tpu.enqueue_indirect_dma source(%dma_start3A_110 : memref<10240x32xf32, #tpu.memory_space<hbm>>) target(%arg14 : memref<125x32xf32, #tpu.memory_space<vmem>>) offsets(%dma_start3A_107 : memref<125xi32, #tpu.memory_space<vmem>>) semaphore(%arg18 : memref<!tpu.dma_semaphore, #tpu.memory_space<semaphore_mem>>)
      %dma_wait3A_111 = arith.constant 0 : i32
      %dma_wait3A_112 = tpu.memref_slice %arg9[%add3A_80, %dma_wait3A_111] : memref<80x125xi32, #tpu.memory_space<vmem>> -> memref<1x125xi32, #tpu.memory_space<vmem>>
      %dma_wait3A_113 = tpu.memref_squeeze %dma_wait3A_112 : memref<1x125xi32, #tpu.memory_space<vmem>> -> memref<125xi32, #tpu.memory_space<vmem>>
      %dma_wait3A_114 = arith.constant 0 : i32
      %dma_wait3A_115 = arith.constant 0 : i32
      %dma_wait3A_116 = tpu.memref_slice %arg7[%dma_wait3A_114, %dma_wait3A_115] : memref<10240x32xf32, #tpu.memory_space<hbm>> -> memref<10240x32xf32, #tpu.memory_space<hbm>>
      tpu.wait_indirect_dma semaphore(%arg15 : memref<!tpu.dma_semaphore, #tpu.memory_space<semaphore_mem>>) src(%dma_wait3A_116 : memref<10240x32xf32, #tpu.memory_space<hbm>>) dst(%arg11 : memref<125x32xf32, #tpu.memory_space<vmem>>)
      %add3A_117 = arith.constant 0 : i32
      %add3A_118 = arith.addi %add3A_78, %add3A_117 : i32
      "tpu.region"() ({
        %run_scoped3A_143 = tpu.sem_alloc : memref<!tpu.dma_semaphore, #tpu.memory_space<semaphore_mem>>
        %dma_start3A_144 = arith.constant 0 : i32
        %dma_start3A_145 = tpu.memref_slice %arg10[%add3A_118, %dma_start3A_144] : memref<80x125xi32, #tpu.memory_space<vmem>> -> memref<1x125xi32, #tpu.memory_space<vmem>>
        %dma_start3A_146 = tpu.memref_squeeze %dma_start3A_145 : memref<1x125xi32, #tpu.memory_space<vmem>> -> memref<125xi32, #tpu.memory_space<vmem>>
        %dma_start3A_147 = arith.constant 0 : i32
        %dma_start3A_148 = arith.constant 0 : i32
        %dma_start3A_149 = tpu.memref_slice %arg19[%dma_start3A_147, %dma_start3A_148] : memref<10240x32xf32, #tpu.memory_space<vmem_shared>> -> memref<10240x32xf32, #tpu.memory_space<vmem_shared>>
        tpu.enqueue_indirect_dma source(%arg11 : memref<125x32xf32, #tpu.memory_space<vmem>>) target(%dma_start3A_149 : memref<10240x32xf32, #tpu.memory_space<vmem_shared>>) offsets(%dma_start3A_146 : memref<125xi32, #tpu.memory_space<vmem>>) semaphore(%run_scoped3A_143 : memref<!tpu.dma_semaphore, #tpu.memory_space<semaphore_mem>>) {add = true}
        %dma_wait3A_150 = arith.constant 0 : i32
        %dma_wait3A_151 = tpu.memref_slice %arg10[%add3A_118, %dma_wait3A_150] : memref<80x125xi32, #tpu.memory_space<vmem>> -> memref<1x125xi32, #tpu.memory_space<vmem>>
        %dma_wait3A_152 = tpu.memref_squeeze %dma_wait3A_151 : memref<1x125xi32, #tpu.memory_space<vmem>> -> memref<125xi32, #tpu.memory_space<vmem>>
        %dma_wait3A_153 = arith.constant 0 : i32
        %dma_wait3A_154 = arith.constant 0 : i32
        %dma_wait3A_155 = tpu.memref_slice %arg19[%dma_wait3A_153, %dma_wait3A_154] : memref<10240x32xf32, #tpu.memory_space<vmem_shared>> -> memref<10240x32xf32, #tpu.memory_space<vmem_shared>>
        tpu.wait_indirect_dma semaphore(%run_scoped3A_143 : memref<!tpu.dma_semaphore, #tpu.memory_space<semaphore_mem>>) src(%arg11 : memref<125x32xf32, #tpu.memory_space<vmem>>) dst(%dma_wait3A_155 : memref<10240x32xf32, #tpu.memory_space<vmem_shared>>)
        tpu.yield
      }) : () -> ()
      %dma_wait3A_119 = arith.constant 0 : i32
      %dma_wait3A_120 = tpu.memref_slice %arg9[%add3A_88, %dma_wait3A_119] : memref<80x125xi32, #tpu.memory_space<vmem>> -> memref<1x125xi32, #tpu.memory_space<vmem>>
      %dma_wait3A_121 = tpu.memref_squeeze %dma_wait3A_120 : memref<1x125xi32, #tpu.memory_space<vmem>> -> memref<125xi32, #tpu.memory_space<vmem>>
      %dma_wait3A_122 = arith.constant 0 : i32
      %dma_wait3A_123 = arith.constant 0 : i32
      %dma_wait3A_124 = tpu.memref_slice %arg7[%dma_wait3A_122, %dma_wait3A_123] : memref<10240x32xf32, #tpu.memory_space<hbm>> -> memref<10240x32xf32, #tpu.memory_space<hbm>>
      tpu.wait_indirect_dma semaphore(%arg16 : memref<!tpu.dma_semaphore, #tpu.memory_space<semaphore_mem>>) src(%dma_wait3A_124 : memref<10240x32xf32, #tpu.memory_space<hbm>>) dst(%arg12 : memref<125x32xf32, #tpu.memory_space<vmem>>)
      %add3A_125 = arith.constant 1 : i32
      %add3A_126 = arith.addi %add3A_78, %add3A_125 : i32
      "tpu.region"() ({
        %run_scoped3A_143 = tpu.sem_alloc : memref<!tpu.dma_semaphore, #tpu.memory_space<semaphore_mem>>
        %dma_start3A_144 = arith.constant 0 : i32
        %dma_start3A_145 = tpu.memref_slice %arg10[%add3A_126, %dma_start3A_144] : memref<80x125xi32, #tpu.memory_space<vmem>> -> memref<1x125xi32, #tpu.memory_space<vmem>>
        %dma_start3A_146 = tpu.memref_squeeze %dma_start3A_145 : memref<1x125xi32, #tpu.memory_space<vmem>> -> memref<125xi32, #tpu.memory_space<vmem>>
        %dma_start3A_147 = arith.constant 0 : i32
        %dma_start3A_148 = arith.constant 0 : i32
        %dma_start3A_149 = tpu.memref_slice %arg19[%dma_start3A_147, %dma_start3A_148] : memref<10240x32xf32, #tpu.memory_space<vmem_shared>> -> memref<10240x32xf32, #tpu.memory_space<vmem_shared>>
        tpu.enqueue_indirect_dma source(%arg12 : memref<125x32xf32, #tpu.memory_space<vmem>>) target(%dma_start3A_149 : memref<10240x32xf32, #tpu.memory_space<vmem_shared>>) offsets(%dma_start3A_146 : memref<125xi32, #tpu.memory_space<vmem>>) semaphore(%run_scoped3A_143 : memref<!tpu.dma_semaphore, #tpu.memory_space<semaphore_mem>>) {add = true}
        %dma_wait3A_150 = arith.constant 0 : i32
        %dma_wait3A_151 = tpu.memref_slice %arg10[%add3A_126, %dma_wait3A_150] : memref<80x125xi32, #tpu.memory_space<vmem>> -> memref<1x125xi32, #tpu.memory_space<vmem>>
        %dma_wait3A_152 = tpu.memref_squeeze %dma_wait3A_151 : memref<1x125xi32, #tpu.memory_space<vmem>> -> memref<125xi32, #tpu.memory_space<vmem>>
        %dma_wait3A_153 = arith.constant 0 : i32
        %dma_wait3A_154 = arith.constant 0 : i32
        %dma_wait3A_155 = tpu.memref_slice %arg19[%dma_wait3A_153, %dma_wait3A_154] : memref<10240x32xf32, #tpu.memory_space<vmem_shared>> -> memref<10240x32xf32, #tpu.memory_space<vmem_shared>>
        tpu.wait_indirect_dma semaphore(%run_scoped3A_143 : memref<!tpu.dma_semaphore, #tpu.memory_space<semaphore_mem>>) src(%arg12 : memref<125x32xf32, #tpu.memory_space<vmem>>) dst(%dma_wait3A_155 : memref<10240x32xf32, #tpu.memory_space<vmem_shared>>)
        tpu.yield
      }) : () -> ()
      %dma_wait3A_127 = arith.constant 0 : i32
      %dma_wait3A_128 = tpu.memref_slice %arg9[%add3A_96, %dma_wait3A_127] : memref<80x125xi32, #tpu.memory_space<vmem>> -> memref<1x125xi32, #tpu.memory_space<vmem>>
      %dma_wait3A_129 = tpu.memref_squeeze %dma_wait3A_128 : memref<1x125xi32, #tpu.memory_space<vmem>> -> memref<125xi32, #tpu.memory_space<vmem>>
      %dma_wait3A_130 = arith.constant 0 : i32
      %dma_wait3A_131 = arith.constant 0 : i32
      %dma_wait3A_132 = tpu.memref_slice %arg7[%dma_wait3A_130, %dma_wait3A_131] : memref<10240x32xf32, #tpu.memory_space<hbm>> -> memref<10240x32xf32, #tpu.memory_space<hbm>>
      tpu.wait_indirect_dma semaphore(%arg17 : memref<!tpu.dma_semaphore, #tpu.memory_space<semaphore_mem>>) src(%dma_wait3A_132 : memref<10240x32xf32, #tpu.memory_space<hbm>>) dst(%arg13 : memref<125x32xf32, #tpu.memory_space<vmem>>)
      %add3A_133 = arith.constant 2 : i32
      %add3A_134 = arith.addi %add3A_78, %add3A_133 : i32
      "tpu.region"() ({
        %run_scoped3A_143 = tpu.sem_alloc : memref<!tpu.dma_semaphore, #tpu.memory_space<semaphore_mem>>
        %dma_start3A_144 = arith.constant 0 : i32
        %dma_start3A_145 = tpu.memref_slice %arg10[%add3A_134, %dma_start3A_144] : memref<80x125xi32, #tpu.memory_space<vmem>> -> memref<1x125xi32, #tpu.memory_space<vmem>>
        %dma_start3A_146 = tpu.memref_squeeze %dma_start3A_145 : memref<1x125xi32, #tpu.memory_space<vmem>> -> memref<125xi32, #tpu.memory_space<vmem>>
        %dma_start3A_147 = arith.constant 0 : i32
        %dma_start3A_148 = arith.constant 0 : i32
        %dma_start3A_149 = tpu.memref_slice %arg19[%dma_start3A_147, %dma_start3A_148] : memref<10240x32xf32, #tpu.memory_space<vmem_shared>> -> memref<10240x32xf32, #tpu.memory_space<vmem_shared>>
        tpu.enqueue_indirect_dma source(%arg13 : memref<125x32xf32, #tpu.memory_space<vmem>>) target(%dma_start3A_149 : memref<10240x32xf32, #tpu.memory_space<vmem_shared>>) offsets(%dma_start3A_146 : memref<125xi32, #tpu.memory_space<vmem>>) semaphore(%run_scoped3A_143 : memref<!tpu.dma_semaphore, #tpu.memory_space<semaphore_mem>>) {add = true}
        %dma_wait3A_150 = arith.constant 0 : i32
        %dma_wait3A_151 = tpu.memref_slice %arg10[%add3A_134, %dma_wait3A_150] : memref<80x125xi32, #tpu.memory_space<vmem>> -> memref<1x125xi32, #tpu.memory_space<vmem>>
        %dma_wait3A_152 = tpu.memref_squeeze %dma_wait3A_151 : memref<1x125xi32, #tpu.memory_space<vmem>> -> memref<125xi32, #tpu.memory_space<vmem>>
        %dma_wait3A_153 = arith.constant 0 : i32
        %dma_wait3A_154 = arith.constant 0 : i32
        %dma_wait3A_155 = tpu.memref_slice %arg19[%dma_wait3A_153, %dma_wait3A_154] : memref<10240x32xf32, #tpu.memory_space<vmem_shared>> -> memref<10240x32xf32, #tpu.memory_space<vmem_shared>>
        tpu.wait_indirect_dma semaphore(%run_scoped3A_143 : memref<!tpu.dma_semaphore, #tpu.memory_space<semaphore_mem>>) src(%arg13 : memref<125x32xf32, #tpu.memory_space<vmem>>) dst(%dma_wait3A_155 : memref<10240x32xf32, #tpu.memory_space<vmem_shared>>)
        tpu.yield
      }) : () -> ()
      %dma_wait3A_135 = arith.constant 0 : i32
      %dma_wait3A_136 = tpu.memref_slice %arg9[%add3A_104, %dma_wait3A_135] : memref<80x125xi32, #tpu.memory_space<vmem>> -> memref<1x125xi32, #tpu.memory_space<vmem>>
      %dma_wait3A_137 = tpu.memref_squeeze %dma_wait3A_136 : memref<1x125xi32, #tpu.memory_space<vmem>> -> memref<125xi32, #tpu.memory_space<vmem>>
      %dma_wait3A_138 = arith.constant 0 : i32
      %dma_wait3A_139 = arith.constant 0 : i32
      %dma_wait3A_140 = tpu.memref_slice %arg7[%dma_wait3A_138, %dma_wait3A_139] : memref<10240x32xf32, #tpu.memory_space<hbm>> -> memref<10240x32xf32, #tpu.memory_space<hbm>>
      tpu.wait_indirect_dma semaphore(%arg18 : memref<!tpu.dma_semaphore, #tpu.memory_space<semaphore_mem>>) src(%dma_wait3A_140 : memref<10240x32xf32, #tpu.memory_space<hbm>>) dst(%arg14 : memref<125x32xf32, #tpu.memory_space<vmem>>)
      %add3A_141 = arith.constant 3 : i32
      %add3A_142 = arith.addi %add3A_78, %add3A_141 : i32
      "tpu.region"() ({
        %run_scoped3A_143 = tpu.sem_alloc : memref<!tpu.dma_semaphore, #tpu.memory_space<semaphore_mem>>
        %dma_start3A_144 = arith.constant 0 : i32
        %dma_start3A_145 = tpu.memref_slice %arg10[%add3A_142, %dma_start3A_144] : memref<80x125xi32, #tpu.memory_space<vmem>> -> memref<1x125xi32, #tpu.memory_space<vmem>>
        %dma_start3A_146 = tpu.memref_squeeze %dma_start3A_145 : memref<1x125xi32, #tpu.memory_space<vmem>> -> memref<125xi32, #tpu.memory_space<vmem>>
        %dma_start3A_147 = arith.constant 0 : i32
        %dma_start3A_148 = arith.constant 0 : i32
        %dma_start3A_149 = tpu.memref_slice %arg19[%dma_start3A_147, %dma_start3A_148] : memref<10240x32xf32, #tpu.memory_space<vmem_shared>> -> memref<10240x32xf32, #tpu.memory_space<vmem_shared>>
        tpu.enqueue_indirect_dma source(%arg14 : memref<125x32xf32, #tpu.memory_space<vmem>>) target(%dma_start3A_149 : memref<10240x32xf32, #tpu.memory_space<vmem_shared>>) offsets(%dma_start3A_146 : memref<125xi32, #tpu.memory_space<vmem>>) semaphore(%run_scoped3A_143 : memref<!tpu.dma_semaphore, #tpu.memory_space<semaphore_mem>>) {add = true}
        %dma_wait3A_150 = arith.constant 0 : i32
        %dma_wait3A_151 = tpu.memref_slice %arg10[%add3A_142, %dma_wait3A_150] : memref<80x125xi32, #tpu.memory_space<vmem>> -> memref<1x125xi32, #tpu.memory_space<vmem>>
        %dma_wait3A_152 = tpu.memref_squeeze %dma_wait3A_151 : memref<1x125xi32, #tpu.memory_space<vmem>> -> memref<125xi32, #tpu.memory_space<vmem>>
        %dma_wait3A_153 = arith.constant 0 : i32
        %dma_wait3A_154 = arith.constant 0 : i32
        %dma_wait3A_155 = tpu.memref_slice %arg19[%dma_wait3A_153, %dma_wait3A_154] : memref<10240x32xf32, #tpu.memory_space<vmem_shared>> -> memref<10240x32xf32, #tpu.memory_space<vmem_shared>>
        tpu.wait_indirect_dma semaphore(%run_scoped3A_143 : memref<!tpu.dma_semaphore, #tpu.memory_space<semaphore_mem>>) src(%arg14 : memref<125x32xf32, #tpu.memory_space<vmem>>) dst(%dma_wait3A_155 : memref<10240x32xf32, #tpu.memory_space<vmem_shared>>)
        tpu.yield
      }) : () -> ()
    }
    %scan3A_72 = arith.constant 20 : i32
    %barrier3A_73 = arith.constant 0 : index
    tpu.barrier barrier_id(%barrier3A_73)
    "tpu.region"() ({
      %run_scoped3A_74 = tpu.sem_alloc : memref<!tpu.dma_semaphore, #tpu.memory_space<semaphore_mem>>
      %dma_start3A_75 = arith.constant 0 : i32
      %dma_start3A_76 = tpu.memref_slice %arg8[%arg0, %mul3A_2, %dma_start3A_75] : memref<2x10240x32xf32, #tpu.memory_space<hbm>> -> memref<1x640x32xf32, #tpu.memory_space<hbm>>
      %dma_start3A_77 = tpu.memref_squeeze %dma_start3A_76 : memref<1x640x32xf32, #tpu.memory_space<hbm>> -> memref<640x32xf32, #tpu.memory_space<hbm>>
      %dma_start3A_78 = arith.constant 0 : i32
      %dma_start3A_79 = tpu.memref_slice %arg19[%mul3A_2, %dma_start3A_78] : memref<10240x32xf32, #tpu.memory_space<vmem_shared>> -> memref<640x32xf32, #tpu.memory_space<vmem_shared>>
      tpu.enqueue_dma source(%dma_start3A_79 : memref<640x32xf32, #tpu.memory_space<vmem_shared>>) target(%dma_start3A_77 : memref<640x32xf32, #tpu.memory_space<hbm>>) target_semaphore(%run_scoped3A_74 : memref<!tpu.dma_semaphore, #tpu.memory_space<semaphore_mem>>)
      %dma_wait3A_80 = arith.constant 0 : i32
      %dma_wait3A_81 = tpu.memref_slice %arg8[%arg0, %mul3A_2, %dma_wait3A_80] : memref<2x10240x32xf32, #tpu.memory_space<hbm>> -> memref<1x640x32xf32, #tpu.memory_space<hbm>>
      %dma_wait3A_82 = tpu.memref_squeeze %dma_wait3A_81 : memref<1x640x32xf32, #tpu.memory_space<hbm>> -> memref<640x32xf32, #tpu.memory_space<hbm>>
      %dma_wait3A_83 = arith.constant 0 : i32
      %dma_wait3A_84 = tpu.memref_slice %arg19[%mul3A_2, %dma_wait3A_83] : memref<10240x32xf32, #tpu.memory_space<vmem_shared>> -> memref<640x32xf32, #tpu.memory_space<vmem_shared>>
      tpu.wait_dma2 semaphore(%run_scoped3A_74 : memref<!tpu.dma_semaphore, #tpu.memory_space<semaphore_mem>>) src(%dma_wait3A_84 : memref<640x32xf32, #tpu.memory_space<vmem_shared>>) dst(%dma_wait3A_82 : memref<640x32xf32, #tpu.memory_space<hbm>>)
      tpu.yield
    }) : () -> ()
    return
  }
}

#map = affine_map<(d0, d1) -> (0, 0)>
#map1 = affine_map<(d0, d1) -> (0, 0, 0, 0)>
#map2 = affine_map<(d0, d1) -> (0, 0, 0)>
module attributes {stable_mosaic.version = 14 : i64} {
  func.func @body(%arg0: i32, %arg1: i32, %arg2: memref<10240x40xf32, #tpu.memory_space<hbm>>, %arg3: memref<2x32x80x125xi32, #tpu.memory_space<hbm>>, %arg4: memref<10240x40xf32, #tpu.memory_space<hbm>>, %arg5: memref<2x10240x40xf32, #tpu.memory_space<hbm>>, %arg6: memref<80x125xi32, #tpu.memory_space<vmem>>, %arg7: memref<80x125xi32, #tpu.memory_space<vmem>>, %arg8: memref<125x40xf32, #tpu.memory_space<vmem>>, %arg9: memref<125x40xf32, #tpu.memory_space<vmem>>, %arg10: memref<125x40xf32, #tpu.memory_space<vmem>>, %arg11: memref<125x40xf32, #tpu.memory_space<vmem>>, %arg12: memref<125x40xf32, #tpu.memory_space<vmem>>, %arg13: memref<125x40xf32, #tpu.memory_space<vmem>>, %arg14: memref<125x40xf32, #tpu.memory_space<vmem>>, %arg15: memref<125x40xf32, #tpu.memory_space<vmem>>, %arg16: memref<!tpu.dma_semaphore, #tpu.memory_space<semaphore_mem>>, %arg17: memref<!tpu.dma_semaphore, #tpu.memory_space<semaphore_mem>>, %arg18: memref<!tpu.dma_semaphore, #tpu.memory_space<semaphore_mem>>, %arg19: memref<!tpu.dma_semaphore, #tpu.memory_space<semaphore_mem>>, %arg20: memref<!tpu.dma_semaphore, #tpu.memory_space<semaphore_mem>>, %arg21: memref<!tpu.dma_semaphore, #tpu.memory_space<semaphore_mem>>, %arg22: memref<!tpu.dma_semaphore, #tpu.memory_space<semaphore_mem>>, %arg23: memref<!tpu.dma_semaphore, #tpu.memory_space<semaphore_mem>>, %arg24: memref<10240x40xf32, #tpu.memory_space<vmem_shared>>) attributes {dimension_semantics = [#tpu.dimension_semantics<core_parallel>, #tpu.dimension_semantics<subcore_parallel>], iteration_bounds = array<i64: 2, 16>, scalar_prefetch = 0 : i64, scratch_operands = 19 : i64, tpu.core_type = #tpu.core_type<sc_vector_subcore>, window_params = [{transform_indices = #map}, {transform_indices = #map1}, {transform_indices = #map}, {transform_indices = #map2}]} {
    %mul3A = arith.constant 16 : i32
    %mul3A_0 = arith.muli %arg0, %mul3A : i32
    %add3A = arith.addi %mul3A_0, %arg1 : i32
    %mul3A_1 = arith.constant 640 : i32
    %mul3A_2 = arith.muli %arg1, %mul3A_1 : i32
    "tpu.region"() ({
      %run_scoped3A_9 = tpu.sem_alloc : memref<!tpu.dma_semaphore, #tpu.memory_space<semaphore_mem>>
      %dma_start3A = arith.constant 0 : i32
      %dma_start3A_10 = tpu.memref_slice %arg24[%mul3A_2, %dma_start3A] : memref<10240x40xf32, #tpu.memory_space<vmem_shared>> -> memref<640x40xf32, #tpu.memory_space<vmem_shared>>
      %dma_start3A_11 = arith.constant 0 : i32
      %dma_start3A_12 = tpu.memref_slice %arg4[%mul3A_2, %dma_start3A_11] : memref<10240x40xf32, #tpu.memory_space<hbm>> -> memref<640x40xf32, #tpu.memory_space<hbm>>
      tpu.enqueue_dma source(%dma_start3A_12 : memref<640x40xf32, #tpu.memory_space<hbm>>) target(%dma_start3A_10 : memref<640x40xf32, #tpu.memory_space<vmem_shared>>) target_semaphore(%run_scoped3A_9 : memref<!tpu.dma_semaphore, #tpu.memory_space<semaphore_mem>>)
      %dma_wait3A = arith.constant 0 : i32
      %dma_wait3A_13 = tpu.memref_slice %arg24[%mul3A_2, %dma_wait3A] : memref<10240x40xf32, #tpu.memory_space<vmem_shared>> -> memref<640x40xf32, #tpu.memory_space<vmem_shared>>
      %dma_wait3A_14 = arith.constant 0 : i32
      %dma_wait3A_15 = tpu.memref_slice %arg4[%mul3A_2, %dma_wait3A_14] : memref<10240x40xf32, #tpu.memory_space<hbm>> -> memref<640x40xf32, #tpu.memory_space<hbm>>
      tpu.wait_dma2 semaphore(%run_scoped3A_9 : memref<!tpu.dma_semaphore, #tpu.memory_space<semaphore_mem>>) src(%dma_wait3A_15 : memref<640x40xf32, #tpu.memory_space<hbm>>) dst(%dma_wait3A_13 : memref<640x40xf32, #tpu.memory_space<vmem_shared>>)
      tpu.yield
    }) : () -> ()
    %run_scoped3A = arith.constant 0 : i32
    "tpu.region"() ({
      %run_scoped3A_9 = tpu.sem_alloc : memref<!tpu.dma_semaphore, #tpu.memory_space<semaphore_mem>>
      %dma_start3A = arith.constant 0 : i32
      %dma_start3A_10 = arith.constant 0 : i32
      %dma_start3A_11 = tpu.memref_slice %arg3[%run_scoped3A, %add3A, %dma_start3A, %dma_start3A_10] : memref<2x32x80x125xi32, #tpu.memory_space<hbm>> -> memref<1x1x80x125xi32, #tpu.memory_space<hbm>>
      %dma_start3A_12 = tpu.memref_squeeze %dma_start3A_11 : memref<1x1x80x125xi32, #tpu.memory_space<hbm>> -> memref<80x125xi32, #tpu.memory_space<hbm>>
      %dma_start3A_13 = arith.constant 0 : i32
      %dma_start3A_14 = arith.constant 0 : i32
      %dma_start3A_15 = tpu.memref_slice %arg3[%run_scoped3A, %add3A, %dma_start3A_13, %dma_start3A_14] : memref<2x32x80x125xi32, #tpu.memory_space<hbm>> -> memref<1x1x80x125xi32, #tpu.memory_space<hbm>>
      %dma_start3A_16 = tpu.memref_squeeze %dma_start3A_15 : memref<1x1x80x125xi32, #tpu.memory_space<hbm>> -> memref<80x125xi32, #tpu.memory_space<hbm>>
      tpu.enqueue_dma source(%dma_start3A_16 : memref<80x125xi32, #tpu.memory_space<hbm>>) target(%arg6 : memref<80x125xi32, #tpu.memory_space<vmem>>) target_semaphore(%run_scoped3A_9 : memref<!tpu.dma_semaphore, #tpu.memory_space<semaphore_mem>>)
      %dma_wait3A = arith.constant 0 : i32
      %dma_wait3A_17 = arith.constant 0 : i32
      %dma_wait3A_18 = tpu.memref_slice %arg3[%run_scoped3A, %add3A, %dma_wait3A, %dma_wait3A_17] : memref<2x32x80x125xi32, #tpu.memory_space<hbm>> -> memref<1x1x80x125xi32, #tpu.memory_space<hbm>>
      %dma_wait3A_19 = tpu.memref_squeeze %dma_wait3A_18 : memref<1x1x80x125xi32, #tpu.memory_space<hbm>> -> memref<80x125xi32, #tpu.memory_space<hbm>>
      %dma_wait3A_20 = arith.constant 0 : i32
      %dma_wait3A_21 = arith.constant 0 : i32
      %dma_wait3A_22 = tpu.memref_slice %arg3[%run_scoped3A, %add3A, %dma_wait3A_20, %dma_wait3A_21] : memref<2x32x80x125xi32, #tpu.memory_space<hbm>> -> memref<1x1x80x125xi32, #tpu.memory_space<hbm>>
      %dma_wait3A_23 = tpu.memref_squeeze %dma_wait3A_22 : memref<1x1x80x125xi32, #tpu.memory_space<hbm>> -> memref<80x125xi32, #tpu.memory_space<hbm>>
      tpu.wait_dma2 semaphore(%run_scoped3A_9 : memref<!tpu.dma_semaphore, #tpu.memory_space<semaphore_mem>>) src(%dma_wait3A_23 : memref<80x125xi32, #tpu.memory_space<hbm>>) dst(%arg6 : memref<80x125xi32, #tpu.memory_space<vmem>>)
      tpu.yield
    }) : () -> ()
    %run_scoped3A_3 = arith.constant 1 : i32
    "tpu.region"() ({
      %run_scoped3A_9 = tpu.sem_alloc : memref<!tpu.dma_semaphore, #tpu.memory_space<semaphore_mem>>
      %dma_start3A = arith.constant 0 : i32
      %dma_start3A_10 = arith.constant 0 : i32
      %dma_start3A_11 = tpu.memref_slice %arg3[%run_scoped3A_3, %add3A, %dma_start3A, %dma_start3A_10] : memref<2x32x80x125xi32, #tpu.memory_space<hbm>> -> memref<1x1x80x125xi32, #tpu.memory_space<hbm>>
      %dma_start3A_12 = tpu.memref_squeeze %dma_start3A_11 : memref<1x1x80x125xi32, #tpu.memory_space<hbm>> -> memref<80x125xi32, #tpu.memory_space<hbm>>
      %dma_start3A_13 = arith.constant 0 : i32
      %dma_start3A_14 = arith.constant 0 : i32
      %dma_start3A_15 = tpu.memref_slice %arg3[%run_scoped3A_3, %add3A, %dma_start3A_13, %dma_start3A_14] : memref<2x32x80x125xi32, #tpu.memory_space<hbm>> -> memref<1x1x80x125xi32, #tpu.memory_space<hbm>>
      %dma_start3A_16 = tpu.memref_squeeze %dma_start3A_15 : memref<1x1x80x125xi32, #tpu.memory_space<hbm>> -> memref<80x125xi32, #tpu.memory_space<hbm>>
      tpu.enqueue_dma source(%dma_start3A_16 : memref<80x125xi32, #tpu.memory_space<hbm>>) target(%arg7 : memref<80x125xi32, #tpu.memory_space<vmem>>) target_semaphore(%run_scoped3A_9 : memref<!tpu.dma_semaphore, #tpu.memory_space<semaphore_mem>>)
      %dma_wait3A = arith.constant 0 : i32
      %dma_wait3A_17 = arith.constant 0 : i32
      %dma_wait3A_18 = tpu.memref_slice %arg3[%run_scoped3A_3, %add3A, %dma_wait3A, %dma_wait3A_17] : memref<2x32x80x125xi32, #tpu.memory_space<hbm>> -> memref<1x1x80x125xi32, #tpu.memory_space<hbm>>
      %dma_wait3A_19 = tpu.memref_squeeze %dma_wait3A_18 : memref<1x1x80x125xi32, #tpu.memory_space<hbm>> -> memref<80x125xi32, #tpu.memory_space<hbm>>
      %dma_wait3A_20 = arith.constant 0 : i32
      %dma_wait3A_21 = arith.constant 0 : i32
      %dma_wait3A_22 = tpu.memref_slice %arg3[%run_scoped3A_3, %add3A, %dma_wait3A_20, %dma_wait3A_21] : memref<2x32x80x125xi32, #tpu.memory_space<hbm>> -> memref<1x1x80x125xi32, #tpu.memory_space<hbm>>
      %dma_wait3A_23 = tpu.memref_squeeze %dma_wait3A_22 : memref<1x1x80x125xi32, #tpu.memory_space<hbm>> -> memref<80x125xi32, #tpu.memory_space<hbm>>
      tpu.wait_dma2 semaphore(%run_scoped3A_9 : memref<!tpu.dma_semaphore, #tpu.memory_space<semaphore_mem>>) src(%dma_wait3A_23 : memref<80x125xi32, #tpu.memory_space<hbm>>) dst(%arg7 : memref<80x125xi32, #tpu.memory_space<vmem>>)
      tpu.yield
    }) : () -> ()
    %barrier3A = arith.constant 0 : index
    tpu.barrier barrier_id(%barrier3A)
    %scan3A = arith.constant 0 : i32
    %scan3A_4 = arith.constant 10 : i32
    %scan3A_5 = arith.addi %scan3A, %scan3A_4 : i32
    %scan3A_6 = arith.constant 1 : i32
    scf.for %scan3A_9 = %scan3A to %scan3A_5 step %scan3A_6  : i32 {
      %mul3A_10 = arith.constant 8 : i32
      %mul3A_11 = arith.muli %scan3A_9, %mul3A_10 : i32
      %add3A_12 = arith.constant 0 : i32
      %add3A_13 = arith.addi %add3A_12, %mul3A_11 : i32
      %add3A_14 = arith.constant 0 : i32
      %add3A_15 = arith.addi %add3A_13, %add3A_14 : i32
      %dma_start3A = arith.constant 0 : i32
      %dma_start3A_16 = tpu.memref_slice %arg6[%add3A_15, %dma_start3A] : memref<80x125xi32, #tpu.memory_space<vmem>> -> memref<1x125xi32, #tpu.memory_space<vmem>>
      %dma_start3A_17 = tpu.memref_squeeze %dma_start3A_16 : memref<1x125xi32, #tpu.memory_space<vmem>> -> memref<125xi32, #tpu.memory_space<vmem>>
      %dma_start3A_18 = arith.constant 0 : i32
      %dma_start3A_19 = arith.constant 0 : i32
      %dma_start3A_20 = tpu.memref_slice %arg2[%dma_start3A_18, %dma_start3A_19] : memref<10240x40xf32, #tpu.memory_space<hbm>> -> memref<10240x40xf32, #tpu.memory_space<hbm>>
      tpu.enqueue_indirect_dma source(%dma_start3A_20 : memref<10240x40xf32, #tpu.memory_space<hbm>>) target(%arg8 : memref<125x40xf32, #tpu.memory_space<vmem>>) offsets(%dma_start3A_17 : memref<125xi32, #tpu.memory_space<vmem>>) semaphore(%arg16 : memref<!tpu.dma_semaphore, #tpu.memory_space<semaphore_mem>>)
      %add3A_21 = arith.constant 1 : i32
      %add3A_22 = arith.addi %add3A_13, %add3A_21 : i32
      %dma_start3A_23 = arith.constant 0 : i32
      %dma_start3A_24 = tpu.memref_slice %arg6[%add3A_22, %dma_start3A_23] : memref<80x125xi32, #tpu.memory_space<vmem>> -> memref<1x125xi32, #tpu.memory_space<vmem>>
      %dma_start3A_25 = tpu.memref_squeeze %dma_start3A_24 : memref<1x125xi32, #tpu.memory_space<vmem>> -> memref<125xi32, #tpu.memory_space<vmem>>
      %dma_start3A_26 = arith.constant 0 : i32
      %dma_start3A_27 = arith.constant 0 : i32
      %dma_start3A_28 = tpu.memref_slice %arg2[%dma_start3A_26, %dma_start3A_27] : memref<10240x40xf32, #tpu.memory_space<hbm>> -> memref<10240x40xf32, #tpu.memory_space<hbm>>
      tpu.enqueue_indirect_dma source(%dma_start3A_28 : memref<10240x40xf32, #tpu.memory_space<hbm>>) target(%arg9 : memref<125x40xf32, #tpu.memory_space<vmem>>) offsets(%dma_start3A_25 : memref<125xi32, #tpu.memory_space<vmem>>) semaphore(%arg17 : memref<!tpu.dma_semaphore, #tpu.memory_space<semaphore_mem>>)
      %add3A_29 = arith.constant 2 : i32
      %add3A_30 = arith.addi %add3A_13, %add3A_29 : i32
      %dma_start3A_31 = arith.constant 0 : i32
      %dma_start3A_32 = tpu.memref_slice %arg6[%add3A_30, %dma_start3A_31] : memref<80x125xi32, #tpu.memory_space<vmem>> -> memref<1x125xi32, #tpu.memory_space<vmem>>
      %dma_start3A_33 = tpu.memref_squeeze %dma_start3A_32 : memref<1x125xi32, #tpu.memory_space<vmem>> -> memref<125xi32, #tpu.memory_space<vmem>>
      %dma_start3A_34 = arith.constant 0 : i32
      %dma_start3A_35 = arith.constant 0 : i32
      %dma_start3A_36 = tpu.memref_slice %arg2[%dma_start3A_34, %dma_start3A_35] : memref<10240x40xf32, #tpu.memory_space<hbm>> -> memref<10240x40xf32, #tpu.memory_space<hbm>>
      tpu.enqueue_indirect_dma source(%dma_start3A_36 : memref<10240x40xf32, #tpu.memory_space<hbm>>) target(%arg10 : memref<125x40xf32, #tpu.memory_space<vmem>>) offsets(%dma_start3A_33 : memref<125xi32, #tpu.memory_space<vmem>>) semaphore(%arg18 : memref<!tpu.dma_semaphore, #tpu.memory_space<semaphore_mem>>)
      %add3A_37 = arith.constant 3 : i32
      %add3A_38 = arith.addi %add3A_13, %add3A_37 : i32
      %dma_start3A_39 = arith.constant 0 : i32
      %dma_start3A_40 = tpu.memref_slice %arg6[%add3A_38, %dma_start3A_39] : memref<80x125xi32, #tpu.memory_space<vmem>> -> memref<1x125xi32, #tpu.memory_space<vmem>>
      %dma_start3A_41 = tpu.memref_squeeze %dma_start3A_40 : memref<1x125xi32, #tpu.memory_space<vmem>> -> memref<125xi32, #tpu.memory_space<vmem>>
      %dma_start3A_42 = arith.constant 0 : i32
      %dma_start3A_43 = arith.constant 0 : i32
      %dma_start3A_44 = tpu.memref_slice %arg2[%dma_start3A_42, %dma_start3A_43] : memref<10240x40xf32, #tpu.memory_space<hbm>> -> memref<10240x40xf32, #tpu.memory_space<hbm>>
      tpu.enqueue_indirect_dma source(%dma_start3A_44 : memref<10240x40xf32, #tpu.memory_space<hbm>>) target(%arg11 : memref<125x40xf32, #tpu.memory_space<vmem>>) offsets(%dma_start3A_41 : memref<125xi32, #tpu.memory_space<vmem>>) semaphore(%arg19 : memref<!tpu.dma_semaphore, #tpu.memory_space<semaphore_mem>>)
      %add3A_45 = arith.constant 4 : i32
      %add3A_46 = arith.addi %add3A_13, %add3A_45 : i32
      %dma_start3A_47 = arith.constant 0 : i32
      %dma_start3A_48 = tpu.memref_slice %arg6[%add3A_46, %dma_start3A_47] : memref<80x125xi32, #tpu.memory_space<vmem>> -> memref<1x125xi32, #tpu.memory_space<vmem>>
      %dma_start3A_49 = tpu.memref_squeeze %dma_start3A_48 : memref<1x125xi32, #tpu.memory_space<vmem>> -> memref<125xi32, #tpu.memory_space<vmem>>
      %dma_start3A_50 = arith.constant 0 : i32
      %dma_start3A_51 = arith.constant 0 : i32
      %dma_start3A_52 = tpu.memref_slice %arg2[%dma_start3A_50, %dma_start3A_51] : memref<10240x40xf32, #tpu.memory_space<hbm>> -> memref<10240x40xf32, #tpu.memory_space<hbm>>
      tpu.enqueue_indirect_dma source(%dma_start3A_52 : memref<10240x40xf32, #tpu.memory_space<hbm>>) target(%arg12 : memref<125x40xf32, #tpu.memory_space<vmem>>) offsets(%dma_start3A_49 : memref<125xi32, #tpu.memory_space<vmem>>) semaphore(%arg20 : memref<!tpu.dma_semaphore, #tpu.memory_space<semaphore_mem>>)
      %add3A_53 = arith.constant 5 : i32
      %add3A_54 = arith.addi %add3A_13, %add3A_53 : i32
      %dma_start3A_55 = arith.constant 0 : i32
      %dma_start3A_56 = tpu.memref_slice %arg6[%add3A_54, %dma_start3A_55] : memref<80x125xi32, #tpu.memory_space<vmem>> -> memref<1x125xi32, #tpu.memory_space<vmem>>
      %dma_start3A_57 = tpu.memref_squeeze %dma_start3A_56 : memref<1x125xi32, #tpu.memory_space<vmem>> -> memref<125xi32, #tpu.memory_space<vmem>>
      %dma_start3A_58 = arith.constant 0 : i32
      %dma_start3A_59 = arith.constant 0 : i32
      %dma_start3A_60 = tpu.memref_slice %arg2[%dma_start3A_58, %dma_start3A_59] : memref<10240x40xf32, #tpu.memory_space<hbm>> -> memref<10240x40xf32, #tpu.memory_space<hbm>>
      tpu.enqueue_indirect_dma source(%dma_start3A_60 : memref<10240x40xf32, #tpu.memory_space<hbm>>) target(%arg13 : memref<125x40xf32, #tpu.memory_space<vmem>>) offsets(%dma_start3A_57 : memref<125xi32, #tpu.memory_space<vmem>>) semaphore(%arg21 : memref<!tpu.dma_semaphore, #tpu.memory_space<semaphore_mem>>)
      %add3A_61 = arith.constant 6 : i32
      %add3A_62 = arith.addi %add3A_13, %add3A_61 : i32
      %dma_start3A_63 = arith.constant 0 : i32
      %dma_start3A_64 = tpu.memref_slice %arg6[%add3A_62, %dma_start3A_63] : memref<80x125xi32, #tpu.memory_space<vmem>> -> memref<1x125xi32, #tpu.memory_space<vmem>>
      %dma_start3A_65 = tpu.memref_squeeze %dma_start3A_64 : memref<1x125xi32, #tpu.memory_space<vmem>> -> memref<125xi32, #tpu.memory_space<vmem>>
      %dma_start3A_66 = arith.constant 0 : i32
      %dma_start3A_67 = arith.constant 0 : i32
      %dma_start3A_68 = tpu.memref_slice %arg2[%dma_start3A_66, %dma_start3A_67] : memref<10240x40xf32, #tpu.memory_space<hbm>> -> memref<10240x40xf32, #tpu.memory_space<hbm>>
      tpu.enqueue_indirect_dma source(%dma_start3A_68 : memref<10240x40xf32, #tpu.memory_space<hbm>>) target(%arg14 : memref<125x40xf32, #tpu.memory_space<vmem>>) offsets(%dma_start3A_65 : memref<125xi32, #tpu.memory_space<vmem>>) semaphore(%arg22 : memref<!tpu.dma_semaphore, #tpu.memory_space<semaphore_mem>>)
      %add3A_69 = arith.constant 7 : i32
      %add3A_70 = arith.addi %add3A_13, %add3A_69 : i32
      %dma_start3A_71 = arith.constant 0 : i32
      %dma_start3A_72 = tpu.memref_slice %arg6[%add3A_70, %dma_start3A_71] : memref<80x125xi32, #tpu.memory_space<vmem>> -> memref<1x125xi32, #tpu.memory_space<vmem>>
      %dma_start3A_73 = tpu.memref_squeeze %dma_start3A_72 : memref<1x125xi32, #tpu.memory_space<vmem>> -> memref<125xi32, #tpu.memory_space<vmem>>
      %dma_start3A_74 = arith.constant 0 : i32
      %dma_start3A_75 = arith.constant 0 : i32
      %dma_start3A_76 = tpu.memref_slice %arg2[%dma_start3A_74, %dma_start3A_75] : memref<10240x40xf32, #tpu.memory_space<hbm>> -> memref<10240x40xf32, #tpu.memory_space<hbm>>
      tpu.enqueue_indirect_dma source(%dma_start3A_76 : memref<10240x40xf32, #tpu.memory_space<hbm>>) target(%arg15 : memref<125x40xf32, #tpu.memory_space<vmem>>) offsets(%dma_start3A_73 : memref<125xi32, #tpu.memory_space<vmem>>) semaphore(%arg23 : memref<!tpu.dma_semaphore, #tpu.memory_space<semaphore_mem>>)
      %dma_wait3A = arith.constant 0 : i32
      %dma_wait3A_77 = tpu.memref_slice %arg6[%add3A_15, %dma_wait3A] : memref<80x125xi32, #tpu.memory_space<vmem>> -> memref<1x125xi32, #tpu.memory_space<vmem>>
      %dma_wait3A_78 = tpu.memref_squeeze %dma_wait3A_77 : memref<1x125xi32, #tpu.memory_space<vmem>> -> memref<125xi32, #tpu.memory_space<vmem>>
      %dma_wait3A_79 = arith.constant 0 : i32
      %dma_wait3A_80 = arith.constant 0 : i32
      %dma_wait3A_81 = tpu.memref_slice %arg2[%dma_wait3A_79, %dma_wait3A_80] : memref<10240x40xf32, #tpu.memory_space<hbm>> -> memref<10240x40xf32, #tpu.memory_space<hbm>>
      tpu.wait_indirect_dma semaphore(%arg16 : memref<!tpu.dma_semaphore, #tpu.memory_space<semaphore_mem>>) src(%dma_wait3A_81 : memref<10240x40xf32, #tpu.memory_space<hbm>>) dst(%arg8 : memref<125x40xf32, #tpu.memory_space<vmem>>)
      %add3A_82 = arith.constant 0 : i32
      %add3A_83 = arith.addi %add3A_13, %add3A_82 : i32
      "tpu.region"() ({
        %run_scoped3A_140 = tpu.sem_alloc : memref<!tpu.dma_semaphore, #tpu.memory_space<semaphore_mem>>
        %dma_start3A_141 = arith.constant 0 : i32
        %dma_start3A_142 = tpu.memref_slice %arg7[%add3A_83, %dma_start3A_141] : memref<80x125xi32, #tpu.memory_space<vmem>> -> memref<1x125xi32, #tpu.memory_space<vmem>>
        %dma_start3A_143 = tpu.memref_squeeze %dma_start3A_142 : memref<1x125xi32, #tpu.memory_space<vmem>> -> memref<125xi32, #tpu.memory_space<vmem>>
        %dma_start3A_144 = arith.constant 0 : i32
        %dma_start3A_145 = arith.constant 0 : i32
        %dma_start3A_146 = tpu.memref_slice %arg24[%dma_start3A_144, %dma_start3A_145] : memref<10240x40xf32, #tpu.memory_space<vmem_shared>> -> memref<10240x40xf32, #tpu.memory_space<vmem_shared>>
        tpu.enqueue_indirect_dma source(%arg8 : memref<125x40xf32, #tpu.memory_space<vmem>>) target(%dma_start3A_146 : memref<10240x40xf32, #tpu.memory_space<vmem_shared>>) offsets(%dma_start3A_143 : memref<125xi32, #tpu.memory_space<vmem>>) semaphore(%run_scoped3A_140 : memref<!tpu.dma_semaphore, #tpu.memory_space<semaphore_mem>>) {add = true}
        %dma_wait3A_147 = arith.constant 0 : i32
        %dma_wait3A_148 = tpu.memref_slice %arg7[%add3A_83, %dma_wait3A_147] : memref<80x125xi32, #tpu.memory_space<vmem>> -> memref<1x125xi32, #tpu.memory_space<vmem>>
        %dma_wait3A_149 = tpu.memref_squeeze %dma_wait3A_148 : memref<1x125xi32, #tpu.memory_space<vmem>> -> memref<125xi32, #tpu.memory_space<vmem>>
        %dma_wait3A_150 = arith.constant 0 : i32
        %dma_wait3A_151 = arith.constant 0 : i32
        %dma_wait3A_152 = tpu.memref_slice %arg24[%dma_wait3A_150, %dma_wait3A_151] : memref<10240x40xf32, #tpu.memory_space<vmem_shared>> -> memref<10240x40xf32, #tpu.memory_space<vmem_shared>>
        tpu.wait_indirect_dma semaphore(%run_scoped3A_140 : memref<!tpu.dma_semaphore, #tpu.memory_space<semaphore_mem>>) src(%arg8 : memref<125x40xf32, #tpu.memory_space<vmem>>) dst(%dma_wait3A_152 : memref<10240x40xf32, #tpu.memory_space<vmem_shared>>)
        tpu.yield
      }) : () -> ()
      %dma_wait3A_84 = arith.constant 0 : i32
      %dma_wait3A_85 = tpu.memref_slice %arg6[%add3A_22, %dma_wait3A_84] : memref<80x125xi32, #tpu.memory_space<vmem>> -> memref<1x125xi32, #tpu.memory_space<vmem>>
      %dma_wait3A_86 = tpu.memref_squeeze %dma_wait3A_85 : memref<1x125xi32, #tpu.memory_space<vmem>> -> memref<125xi32, #tpu.memory_space<vmem>>
      %dma_wait3A_87 = arith.constant 0 : i32
      %dma_wait3A_88 = arith.constant 0 : i32
      %dma_wait3A_89 = tpu.memref_slice %arg2[%dma_wait3A_87, %dma_wait3A_88] : memref<10240x40xf32, #tpu.memory_space<hbm>> -> memref<10240x40xf32, #tpu.memory_space<hbm>>
      tpu.wait_indirect_dma semaphore(%arg17 : memref<!tpu.dma_semaphore, #tpu.memory_space<semaphore_mem>>) src(%dma_wait3A_89 : memref<10240x40xf32, #tpu.memory_space<hbm>>) dst(%arg9 : memref<125x40xf32, #tpu.memory_space<vmem>>)
      %add3A_90 = arith.constant 1 : i32
      %add3A_91 = arith.addi %add3A_13, %add3A_90 : i32
      "tpu.region"() ({
        %run_scoped3A_140 = tpu.sem_alloc : memref<!tpu.dma_semaphore, #tpu.memory_space<semaphore_mem>>
        %dma_start3A_141 = arith.constant 0 : i32
        %dma_start3A_142 = tpu.memref_slice %arg7[%add3A_91, %dma_start3A_141] : memref<80x125xi32, #tpu.memory_space<vmem>> -> memref<1x125xi32, #tpu.memory_space<vmem>>
        %dma_start3A_143 = tpu.memref_squeeze %dma_start3A_142 : memref<1x125xi32, #tpu.memory_space<vmem>> -> memref<125xi32, #tpu.memory_space<vmem>>
        %dma_start3A_144 = arith.constant 0 : i32
        %dma_start3A_145 = arith.constant 0 : i32
        %dma_start3A_146 = tpu.memref_slice %arg24[%dma_start3A_144, %dma_start3A_145] : memref<10240x40xf32, #tpu.memory_space<vmem_shared>> -> memref<10240x40xf32, #tpu.memory_space<vmem_shared>>
        tpu.enqueue_indirect_dma source(%arg9 : memref<125x40xf32, #tpu.memory_space<vmem>>) target(%dma_start3A_146 : memref<10240x40xf32, #tpu.memory_space<vmem_shared>>) offsets(%dma_start3A_143 : memref<125xi32, #tpu.memory_space<vmem>>) semaphore(%run_scoped3A_140 : memref<!tpu.dma_semaphore, #tpu.memory_space<semaphore_mem>>) {add = true}
        %dma_wait3A_147 = arith.constant 0 : i32
        %dma_wait3A_148 = tpu.memref_slice %arg7[%add3A_91, %dma_wait3A_147] : memref<80x125xi32, #tpu.memory_space<vmem>> -> memref<1x125xi32, #tpu.memory_space<vmem>>
        %dma_wait3A_149 = tpu.memref_squeeze %dma_wait3A_148 : memref<1x125xi32, #tpu.memory_space<vmem>> -> memref<125xi32, #tpu.memory_space<vmem>>
        %dma_wait3A_150 = arith.constant 0 : i32
        %dma_wait3A_151 = arith.constant 0 : i32
        %dma_wait3A_152 = tpu.memref_slice %arg24[%dma_wait3A_150, %dma_wait3A_151] : memref<10240x40xf32, #tpu.memory_space<vmem_shared>> -> memref<10240x40xf32, #tpu.memory_space<vmem_shared>>
        tpu.wait_indirect_dma semaphore(%run_scoped3A_140 : memref<!tpu.dma_semaphore, #tpu.memory_space<semaphore_mem>>) src(%arg9 : memref<125x40xf32, #tpu.memory_space<vmem>>) dst(%dma_wait3A_152 : memref<10240x40xf32, #tpu.memory_space<vmem_shared>>)
        tpu.yield
      }) : () -> ()
      %dma_wait3A_92 = arith.constant 0 : i32
      %dma_wait3A_93 = tpu.memref_slice %arg6[%add3A_30, %dma_wait3A_92] : memref<80x125xi32, #tpu.memory_space<vmem>> -> memref<1x125xi32, #tpu.memory_space<vmem>>
      %dma_wait3A_94 = tpu.memref_squeeze %dma_wait3A_93 : memref<1x125xi32, #tpu.memory_space<vmem>> -> memref<125xi32, #tpu.memory_space<vmem>>
      %dma_wait3A_95 = arith.constant 0 : i32
      %dma_wait3A_96 = arith.constant 0 : i32
      %dma_wait3A_97 = tpu.memref_slice %arg2[%dma_wait3A_95, %dma_wait3A_96] : memref<10240x40xf32, #tpu.memory_space<hbm>> -> memref<10240x40xf32, #tpu.memory_space<hbm>>
      tpu.wait_indirect_dma semaphore(%arg18 : memref<!tpu.dma_semaphore, #tpu.memory_space<semaphore_mem>>) src(%dma_wait3A_97 : memref<10240x40xf32, #tpu.memory_space<hbm>>) dst(%arg10 : memref<125x40xf32, #tpu.memory_space<vmem>>)
      %add3A_98 = arith.constant 2 : i32
      %add3A_99 = arith.addi %add3A_13, %add3A_98 : i32
      "tpu.region"() ({
        %run_scoped3A_140 = tpu.sem_alloc : memref<!tpu.dma_semaphore, #tpu.memory_space<semaphore_mem>>
        %dma_start3A_141 = arith.constant 0 : i32
        %dma_start3A_142 = tpu.memref_slice %arg7[%add3A_99, %dma_start3A_141] : memref<80x125xi32, #tpu.memory_space<vmem>> -> memref<1x125xi32, #tpu.memory_space<vmem>>
        %dma_start3A_143 = tpu.memref_squeeze %dma_start3A_142 : memref<1x125xi32, #tpu.memory_space<vmem>> -> memref<125xi32, #tpu.memory_space<vmem>>
        %dma_start3A_144 = arith.constant 0 : i32
        %dma_start3A_145 = arith.constant 0 : i32
        %dma_start3A_146 = tpu.memref_slice %arg24[%dma_start3A_144, %dma_start3A_145] : memref<10240x40xf32, #tpu.memory_space<vmem_shared>> -> memref<10240x40xf32, #tpu.memory_space<vmem_shared>>
        tpu.enqueue_indirect_dma source(%arg10 : memref<125x40xf32, #tpu.memory_space<vmem>>) target(%dma_start3A_146 : memref<10240x40xf32, #tpu.memory_space<vmem_shared>>) offsets(%dma_start3A_143 : memref<125xi32, #tpu.memory_space<vmem>>) semaphore(%run_scoped3A_140 : memref<!tpu.dma_semaphore, #tpu.memory_space<semaphore_mem>>) {add = true}
        %dma_wait3A_147 = arith.constant 0 : i32
        %dma_wait3A_148 = tpu.memref_slice %arg7[%add3A_99, %dma_wait3A_147] : memref<80x125xi32, #tpu.memory_space<vmem>> -> memref<1x125xi32, #tpu.memory_space<vmem>>
        %dma_wait3A_149 = tpu.memref_squeeze %dma_wait3A_148 : memref<1x125xi32, #tpu.memory_space<vmem>> -> memref<125xi32, #tpu.memory_space<vmem>>
        %dma_wait3A_150 = arith.constant 0 : i32
        %dma_wait3A_151 = arith.constant 0 : i32
        %dma_wait3A_152 = tpu.memref_slice %arg24[%dma_wait3A_150, %dma_wait3A_151] : memref<10240x40xf32, #tpu.memory_space<vmem_shared>> -> memref<10240x40xf32, #tpu.memory_space<vmem_shared>>
        tpu.wait_indirect_dma semaphore(%run_scoped3A_140 : memref<!tpu.dma_semaphore, #tpu.memory_space<semaphore_mem>>) src(%arg10 : memref<125x40xf32, #tpu.memory_space<vmem>>) dst(%dma_wait3A_152 : memref<10240x40xf32, #tpu.memory_space<vmem_shared>>)
        tpu.yield
      }) : () -> ()
      %dma_wait3A_100 = arith.constant 0 : i32
      %dma_wait3A_101 = tpu.memref_slice %arg6[%add3A_38, %dma_wait3A_100] : memref<80x125xi32, #tpu.memory_space<vmem>> -> memref<1x125xi32, #tpu.memory_space<vmem>>
      %dma_wait3A_102 = tpu.memref_squeeze %dma_wait3A_101 : memref<1x125xi32, #tpu.memory_space<vmem>> -> memref<125xi32, #tpu.memory_space<vmem>>
      %dma_wait3A_103 = arith.constant 0 : i32
      %dma_wait3A_104 = arith.constant 0 : i32
      %dma_wait3A_105 = tpu.memref_slice %arg2[%dma_wait3A_103, %dma_wait3A_104] : memref<10240x40xf32, #tpu.memory_space<hbm>> -> memref<10240x40xf32, #tpu.memory_space<hbm>>
      tpu.wait_indirect_dma semaphore(%arg19 : memref<!tpu.dma_semaphore, #tpu.memory_space<semaphore_mem>>) src(%dma_wait3A_105 : memref<10240x40xf32, #tpu.memory_space<hbm>>) dst(%arg11 : memref<125x40xf32, #tpu.memory_space<vmem>>)
      %add3A_106 = arith.constant 3 : i32
      %add3A_107 = arith.addi %add3A_13, %add3A_106 : i32
      "tpu.region"() ({
        %run_scoped3A_140 = tpu.sem_alloc : memref<!tpu.dma_semaphore, #tpu.memory_space<semaphore_mem>>
        %dma_start3A_141 = arith.constant 0 : i32
        %dma_start3A_142 = tpu.memref_slice %arg7[%add3A_107, %dma_start3A_141] : memref<80x125xi32, #tpu.memory_space<vmem>> -> memref<1x125xi32, #tpu.memory_space<vmem>>
        %dma_start3A_143 = tpu.memref_squeeze %dma_start3A_142 : memref<1x125xi32, #tpu.memory_space<vmem>> -> memref<125xi32, #tpu.memory_space<vmem>>
        %dma_start3A_144 = arith.constant 0 : i32
        %dma_start3A_145 = arith.constant 0 : i32
        %dma_start3A_146 = tpu.memref_slice %arg24[%dma_start3A_144, %dma_start3A_145] : memref<10240x40xf32, #tpu.memory_space<vmem_shared>> -> memref<10240x40xf32, #tpu.memory_space<vmem_shared>>
        tpu.enqueue_indirect_dma source(%arg11 : memref<125x40xf32, #tpu.memory_space<vmem>>) target(%dma_start3A_146 : memref<10240x40xf32, #tpu.memory_space<vmem_shared>>) offsets(%dma_start3A_143 : memref<125xi32, #tpu.memory_space<vmem>>) semaphore(%run_scoped3A_140 : memref<!tpu.dma_semaphore, #tpu.memory_space<semaphore_mem>>) {add = true}
        %dma_wait3A_147 = arith.constant 0 : i32
        %dma_wait3A_148 = tpu.memref_slice %arg7[%add3A_107, %dma_wait3A_147] : memref<80x125xi32, #tpu.memory_space<vmem>> -> memref<1x125xi32, #tpu.memory_space<vmem>>
        %dma_wait3A_149 = tpu.memref_squeeze %dma_wait3A_148 : memref<1x125xi32, #tpu.memory_space<vmem>> -> memref<125xi32, #tpu.memory_space<vmem>>
        %dma_wait3A_150 = arith.constant 0 : i32
        %dma_wait3A_151 = arith.constant 0 : i32
        %dma_wait3A_152 = tpu.memref_slice %arg24[%dma_wait3A_150, %dma_wait3A_151] : memref<10240x40xf32, #tpu.memory_space<vmem_shared>> -> memref<10240x40xf32, #tpu.memory_space<vmem_shared>>
        tpu.wait_indirect_dma semaphore(%run_scoped3A_140 : memref<!tpu.dma_semaphore, #tpu.memory_space<semaphore_mem>>) src(%arg11 : memref<125x40xf32, #tpu.memory_space<vmem>>) dst(%dma_wait3A_152 : memref<10240x40xf32, #tpu.memory_space<vmem_shared>>)
        tpu.yield
      }) : () -> ()
      %dma_wait3A_108 = arith.constant 0 : i32
      %dma_wait3A_109 = tpu.memref_slice %arg6[%add3A_46, %dma_wait3A_108] : memref<80x125xi32, #tpu.memory_space<vmem>> -> memref<1x125xi32, #tpu.memory_space<vmem>>
      %dma_wait3A_110 = tpu.memref_squeeze %dma_wait3A_109 : memref<1x125xi32, #tpu.memory_space<vmem>> -> memref<125xi32, #tpu.memory_space<vmem>>
      %dma_wait3A_111 = arith.constant 0 : i32
      %dma_wait3A_112 = arith.constant 0 : i32
      %dma_wait3A_113 = tpu.memref_slice %arg2[%dma_wait3A_111, %dma_wait3A_112] : memref<10240x40xf32, #tpu.memory_space<hbm>> -> memref<10240x40xf32, #tpu.memory_space<hbm>>
      tpu.wait_indirect_dma semaphore(%arg20 : memref<!tpu.dma_semaphore, #tpu.memory_space<semaphore_mem>>) src(%dma_wait3A_113 : memref<10240x40xf32, #tpu.memory_space<hbm>>) dst(%arg12 : memref<125x40xf32, #tpu.memory_space<vmem>>)
      %add3A_114 = arith.constant 4 : i32
      %add3A_115 = arith.addi %add3A_13, %add3A_114 : i32
      "tpu.region"() ({
        %run_scoped3A_140 = tpu.sem_alloc : memref<!tpu.dma_semaphore, #tpu.memory_space<semaphore_mem>>
        %dma_start3A_141 = arith.constant 0 : i32
        %dma_start3A_142 = tpu.memref_slice %arg7[%add3A_115, %dma_start3A_141] : memref<80x125xi32, #tpu.memory_space<vmem>> -> memref<1x125xi32, #tpu.memory_space<vmem>>
        %dma_start3A_143 = tpu.memref_squeeze %dma_start3A_142 : memref<1x125xi32, #tpu.memory_space<vmem>> -> memref<125xi32, #tpu.memory_space<vmem>>
        %dma_start3A_144 = arith.constant 0 : i32
        %dma_start3A_145 = arith.constant 0 : i32
        %dma_start3A_146 = tpu.memref_slice %arg24[%dma_start3A_144, %dma_start3A_145] : memref<10240x40xf32, #tpu.memory_space<vmem_shared>> -> memref<10240x40xf32, #tpu.memory_space<vmem_shared>>
        tpu.enqueue_indirect_dma source(%arg12 : memref<125x40xf32, #tpu.memory_space<vmem>>) target(%dma_start3A_146 : memref<10240x40xf32, #tpu.memory_space<vmem_shared>>) offsets(%dma_start3A_143 : memref<125xi32, #tpu.memory_space<vmem>>) semaphore(%run_scoped3A_140 : memref<!tpu.dma_semaphore, #tpu.memory_space<semaphore_mem>>) {add = true}
        %dma_wait3A_147 = arith.constant 0 : i32
        %dma_wait3A_148 = tpu.memref_slice %arg7[%add3A_115, %dma_wait3A_147] : memref<80x125xi32, #tpu.memory_space<vmem>> -> memref<1x125xi32, #tpu.memory_space<vmem>>
        %dma_wait3A_149 = tpu.memref_squeeze %dma_wait3A_148 : memref<1x125xi32, #tpu.memory_space<vmem>> -> memref<125xi32, #tpu.memory_space<vmem>>
        %dma_wait3A_150 = arith.constant 0 : i32
        %dma_wait3A_151 = arith.constant 0 : i32
        %dma_wait3A_152 = tpu.memref_slice %arg24[%dma_wait3A_150, %dma_wait3A_151] : memref<10240x40xf32, #tpu.memory_space<vmem_shared>> -> memref<10240x40xf32, #tpu.memory_space<vmem_shared>>
        tpu.wait_indirect_dma semaphore(%run_scoped3A_140 : memref<!tpu.dma_semaphore, #tpu.memory_space<semaphore_mem>>) src(%arg12 : memref<125x40xf32, #tpu.memory_space<vmem>>) dst(%dma_wait3A_152 : memref<10240x40xf32, #tpu.memory_space<vmem_shared>>)
        tpu.yield
      }) : () -> ()
      %dma_wait3A_116 = arith.constant 0 : i32
      %dma_wait3A_117 = tpu.memref_slice %arg6[%add3A_54, %dma_wait3A_116] : memref<80x125xi32, #tpu.memory_space<vmem>> -> memref<1x125xi32, #tpu.memory_space<vmem>>
      %dma_wait3A_118 = tpu.memref_squeeze %dma_wait3A_117 : memref<1x125xi32, #tpu.memory_space<vmem>> -> memref<125xi32, #tpu.memory_space<vmem>>
      %dma_wait3A_119 = arith.constant 0 : i32
      %dma_wait3A_120 = arith.constant 0 : i32
      %dma_wait3A_121 = tpu.memref_slice %arg2[%dma_wait3A_119, %dma_wait3A_120] : memref<10240x40xf32, #tpu.memory_space<hbm>> -> memref<10240x40xf32, #tpu.memory_space<hbm>>
      tpu.wait_indirect_dma semaphore(%arg21 : memref<!tpu.dma_semaphore, #tpu.memory_space<semaphore_mem>>) src(%dma_wait3A_121 : memref<10240x40xf32, #tpu.memory_space<hbm>>) dst(%arg13 : memref<125x40xf32, #tpu.memory_space<vmem>>)
      %add3A_122 = arith.constant 5 : i32
      %add3A_123 = arith.addi %add3A_13, %add3A_122 : i32
      "tpu.region"() ({
        %run_scoped3A_140 = tpu.sem_alloc : memref<!tpu.dma_semaphore, #tpu.memory_space<semaphore_mem>>
        %dma_start3A_141 = arith.constant 0 : i32
        %dma_start3A_142 = tpu.memref_slice %arg7[%add3A_123, %dma_start3A_141] : memref<80x125xi32, #tpu.memory_space<vmem>> -> memref<1x125xi32, #tpu.memory_space<vmem>>
        %dma_start3A_143 = tpu.memref_squeeze %dma_start3A_142 : memref<1x125xi32, #tpu.memory_space<vmem>> -> memref<125xi32, #tpu.memory_space<vmem>>
        %dma_start3A_144 = arith.constant 0 : i32
        %dma_start3A_145 = arith.constant 0 : i32
        %dma_start3A_146 = tpu.memref_slice %arg24[%dma_start3A_144, %dma_start3A_145] : memref<10240x40xf32, #tpu.memory_space<vmem_shared>> -> memref<10240x40xf32, #tpu.memory_space<vmem_shared>>
        tpu.enqueue_indirect_dma source(%arg13 : memref<125x40xf32, #tpu.memory_space<vmem>>) target(%dma_start3A_146 : memref<10240x40xf32, #tpu.memory_space<vmem_shared>>) offsets(%dma_start3A_143 : memref<125xi32, #tpu.memory_space<vmem>>) semaphore(%run_scoped3A_140 : memref<!tpu.dma_semaphore, #tpu.memory_space<semaphore_mem>>) {add = true}
        %dma_wait3A_147 = arith.constant 0 : i32
        %dma_wait3A_148 = tpu.memref_slice %arg7[%add3A_123, %dma_wait3A_147] : memref<80x125xi32, #tpu.memory_space<vmem>> -> memref<1x125xi32, #tpu.memory_space<vmem>>
        %dma_wait3A_149 = tpu.memref_squeeze %dma_wait3A_148 : memref<1x125xi32, #tpu.memory_space<vmem>> -> memref<125xi32, #tpu.memory_space<vmem>>
        %dma_wait3A_150 = arith.constant 0 : i32
        %dma_wait3A_151 = arith.constant 0 : i32
        %dma_wait3A_152 = tpu.memref_slice %arg24[%dma_wait3A_150, %dma_wait3A_151] : memref<10240x40xf32, #tpu.memory_space<vmem_shared>> -> memref<10240x40xf32, #tpu.memory_space<vmem_shared>>
        tpu.wait_indirect_dma semaphore(%run_scoped3A_140 : memref<!tpu.dma_semaphore, #tpu.memory_space<semaphore_mem>>) src(%arg13 : memref<125x40xf32, #tpu.memory_space<vmem>>) dst(%dma_wait3A_152 : memref<10240x40xf32, #tpu.memory_space<vmem_shared>>)
        tpu.yield
      }) : () -> ()
      %dma_wait3A_124 = arith.constant 0 : i32
      %dma_wait3A_125 = tpu.memref_slice %arg6[%add3A_62, %dma_wait3A_124] : memref<80x125xi32, #tpu.memory_space<vmem>> -> memref<1x125xi32, #tpu.memory_space<vmem>>
      %dma_wait3A_126 = tpu.memref_squeeze %dma_wait3A_125 : memref<1x125xi32, #tpu.memory_space<vmem>> -> memref<125xi32, #tpu.memory_space<vmem>>
      %dma_wait3A_127 = arith.constant 0 : i32
      %dma_wait3A_128 = arith.constant 0 : i32
      %dma_wait3A_129 = tpu.memref_slice %arg2[%dma_wait3A_127, %dma_wait3A_128] : memref<10240x40xf32, #tpu.memory_space<hbm>> -> memref<10240x40xf32, #tpu.memory_space<hbm>>
      tpu.wait_indirect_dma semaphore(%arg22 : memref<!tpu.dma_semaphore, #tpu.memory_space<semaphore_mem>>) src(%dma_wait3A_129 : memref<10240x40xf32, #tpu.memory_space<hbm>>) dst(%arg14 : memref<125x40xf32, #tpu.memory_space<vmem>>)
      %add3A_130 = arith.constant 6 : i32
      %add3A_131 = arith.addi %add3A_13, %add3A_130 : i32
      "tpu.region"() ({
        %run_scoped3A_140 = tpu.sem_alloc : memref<!tpu.dma_semaphore, #tpu.memory_space<semaphore_mem>>
        %dma_start3A_141 = arith.constant 0 : i32
        %dma_start3A_142 = tpu.memref_slice %arg7[%add3A_131, %dma_start3A_141] : memref<80x125xi32, #tpu.memory_space<vmem>> -> memref<1x125xi32, #tpu.memory_space<vmem>>
        %dma_start3A_143 = tpu.memref_squeeze %dma_start3A_142 : memref<1x125xi32, #tpu.memory_space<vmem>> -> memref<125xi32, #tpu.memory_space<vmem>>
        %dma_start3A_144 = arith.constant 0 : i32
        %dma_start3A_145 = arith.constant 0 : i32
        %dma_start3A_146 = tpu.memref_slice %arg24[%dma_start3A_144, %dma_start3A_145] : memref<10240x40xf32, #tpu.memory_space<vmem_shared>> -> memref<10240x40xf32, #tpu.memory_space<vmem_shared>>
        tpu.enqueue_indirect_dma source(%arg14 : memref<125x40xf32, #tpu.memory_space<vmem>>) target(%dma_start3A_146 : memref<10240x40xf32, #tpu.memory_space<vmem_shared>>) offsets(%dma_start3A_143 : memref<125xi32, #tpu.memory_space<vmem>>) semaphore(%run_scoped3A_140 : memref<!tpu.dma_semaphore, #tpu.memory_space<semaphore_mem>>) {add = true}
        %dma_wait3A_147 = arith.constant 0 : i32
        %dma_wait3A_148 = tpu.memref_slice %arg7[%add3A_131, %dma_wait3A_147] : memref<80x125xi32, #tpu.memory_space<vmem>> -> memref<1x125xi32, #tpu.memory_space<vmem>>
        %dma_wait3A_149 = tpu.memref_squeeze %dma_wait3A_148 : memref<1x125xi32, #tpu.memory_space<vmem>> -> memref<125xi32, #tpu.memory_space<vmem>>
        %dma_wait3A_150 = arith.constant 0 : i32
        %dma_wait3A_151 = arith.constant 0 : i32
        %dma_wait3A_152 = tpu.memref_slice %arg24[%dma_wait3A_150, %dma_wait3A_151] : memref<10240x40xf32, #tpu.memory_space<vmem_shared>> -> memref<10240x40xf32, #tpu.memory_space<vmem_shared>>
        tpu.wait_indirect_dma semaphore(%run_scoped3A_140 : memref<!tpu.dma_semaphore, #tpu.memory_space<semaphore_mem>>) src(%arg14 : memref<125x40xf32, #tpu.memory_space<vmem>>) dst(%dma_wait3A_152 : memref<10240x40xf32, #tpu.memory_space<vmem_shared>>)
        tpu.yield
      }) : () -> ()
      %dma_wait3A_132 = arith.constant 0 : i32
      %dma_wait3A_133 = tpu.memref_slice %arg6[%add3A_70, %dma_wait3A_132] : memref<80x125xi32, #tpu.memory_space<vmem>> -> memref<1x125xi32, #tpu.memory_space<vmem>>
      %dma_wait3A_134 = tpu.memref_squeeze %dma_wait3A_133 : memref<1x125xi32, #tpu.memory_space<vmem>> -> memref<125xi32, #tpu.memory_space<vmem>>
      %dma_wait3A_135 = arith.constant 0 : i32
      %dma_wait3A_136 = arith.constant 0 : i32
      %dma_wait3A_137 = tpu.memref_slice %arg2[%dma_wait3A_135, %dma_wait3A_136] : memref<10240x40xf32, #tpu.memory_space<hbm>> -> memref<10240x40xf32, #tpu.memory_space<hbm>>
      tpu.wait_indirect_dma semaphore(%arg23 : memref<!tpu.dma_semaphore, #tpu.memory_space<semaphore_mem>>) src(%dma_wait3A_137 : memref<10240x40xf32, #tpu.memory_space<hbm>>) dst(%arg15 : memref<125x40xf32, #tpu.memory_space<vmem>>)
      %add3A_138 = arith.constant 7 : i32
      %add3A_139 = arith.addi %add3A_13, %add3A_138 : i32
      "tpu.region"() ({
        %run_scoped3A_140 = tpu.sem_alloc : memref<!tpu.dma_semaphore, #tpu.memory_space<semaphore_mem>>
        %dma_start3A_141 = arith.constant 0 : i32
        %dma_start3A_142 = tpu.memref_slice %arg7[%add3A_139, %dma_start3A_141] : memref<80x125xi32, #tpu.memory_space<vmem>> -> memref<1x125xi32, #tpu.memory_space<vmem>>
        %dma_start3A_143 = tpu.memref_squeeze %dma_start3A_142 : memref<1x125xi32, #tpu.memory_space<vmem>> -> memref<125xi32, #tpu.memory_space<vmem>>
        %dma_start3A_144 = arith.constant 0 : i32
        %dma_start3A_145 = arith.constant 0 : i32
        %dma_start3A_146 = tpu.memref_slice %arg24[%dma_start3A_144, %dma_start3A_145] : memref<10240x40xf32, #tpu.memory_space<vmem_shared>> -> memref<10240x40xf32, #tpu.memory_space<vmem_shared>>
        tpu.enqueue_indirect_dma source(%arg15 : memref<125x40xf32, #tpu.memory_space<vmem>>) target(%dma_start3A_146 : memref<10240x40xf32, #tpu.memory_space<vmem_shared>>) offsets(%dma_start3A_143 : memref<125xi32, #tpu.memory_space<vmem>>) semaphore(%run_scoped3A_140 : memref<!tpu.dma_semaphore, #tpu.memory_space<semaphore_mem>>) {add = true}
        %dma_wait3A_147 = arith.constant 0 : i32
        %dma_wait3A_148 = tpu.memref_slice %arg7[%add3A_139, %dma_wait3A_147] : memref<80x125xi32, #tpu.memory_space<vmem>> -> memref<1x125xi32, #tpu.memory_space<vmem>>
        %dma_wait3A_149 = tpu.memref_squeeze %dma_wait3A_148 : memref<1x125xi32, #tpu.memory_space<vmem>> -> memref<125xi32, #tpu.memory_space<vmem>>
        %dma_wait3A_150 = arith.constant 0 : i32
        %dma_wait3A_151 = arith.constant 0 : i32
        %dma_wait3A_152 = tpu.memref_slice %arg24[%dma_wait3A_150, %dma_wait3A_151] : memref<10240x40xf32, #tpu.memory_space<vmem_shared>> -> memref<10240x40xf32, #tpu.memory_space<vmem_shared>>
        tpu.wait_indirect_dma semaphore(%run_scoped3A_140 : memref<!tpu.dma_semaphore, #tpu.memory_space<semaphore_mem>>) src(%arg15 : memref<125x40xf32, #tpu.memory_space<vmem>>) dst(%dma_wait3A_152 : memref<10240x40xf32, #tpu.memory_space<vmem_shared>>)
        tpu.yield
      }) : () -> ()
    }
    %scan3A_7 = arith.constant 10 : i32
    %barrier3A_8 = arith.constant 0 : index
    tpu.barrier barrier_id(%barrier3A_8)
    "tpu.region"() ({
      %run_scoped3A_9 = tpu.sem_alloc : memref<!tpu.dma_semaphore, #tpu.memory_space<semaphore_mem>>
      %dma_start3A = arith.constant 0 : i32
      %dma_start3A_10 = tpu.memref_slice %arg5[%arg0, %mul3A_2, %dma_start3A] : memref<2x10240x40xf32, #tpu.memory_space<hbm>> -> memref<1x640x40xf32, #tpu.memory_space<hbm>>
      %dma_start3A_11 = tpu.memref_squeeze %dma_start3A_10 : memref<1x640x40xf32, #tpu.memory_space<hbm>> -> memref<640x40xf32, #tpu.memory_space<hbm>>
      %dma_start3A_12 = arith.constant 0 : i32
      %dma_start3A_13 = tpu.memref_slice %arg24[%mul3A_2, %dma_start3A_12] : memref<10240x40xf32, #tpu.memory_space<vmem_shared>> -> memref<640x40xf32, #tpu.memory_space<vmem_shared>>
      tpu.enqueue_dma source(%dma_start3A_13 : memref<640x40xf32, #tpu.memory_space<vmem_shared>>) target(%dma_start3A_11 : memref<640x40xf32, #tpu.memory_space<hbm>>) target_semaphore(%run_scoped3A_9 : memref<!tpu.dma_semaphore, #tpu.memory_space<semaphore_mem>>)
      %dma_wait3A = arith.constant 0 : i32
      %dma_wait3A_14 = tpu.memref_slice %arg5[%arg0, %mul3A_2, %dma_wait3A] : memref<2x10240x40xf32, #tpu.memory_space<hbm>> -> memref<1x640x40xf32, #tpu.memory_space<hbm>>
      %dma_wait3A_15 = tpu.memref_squeeze %dma_wait3A_14 : memref<1x640x40xf32, #tpu.memory_space<hbm>> -> memref<640x40xf32, #tpu.memory_space<hbm>>
      %dma_wait3A_16 = arith.constant 0 : i32
      %dma_wait3A_17 = tpu.memref_slice %arg24[%mul3A_2, %dma_wait3A_16] : memref<10240x40xf32, #tpu.memory_space<vmem_shared>> -> memref<640x40xf32, #tpu.memory_space<vmem_shared>>
      tpu.wait_dma2 semaphore(%run_scoped3A_9 : memref<!tpu.dma_semaphore, #tpu.memory_space<semaphore_mem>>) src(%dma_wait3A_17 : memref<640x40xf32, #tpu.memory_space<vmem_shared>>) dst(%dma_wait3A_15 : memref<640x40xf32, #tpu.memory_space<hbm>>)
      tpu.yield
    }) : () -> ()
    return
  }
}

module attributes {stable_mosaic.version = 14 : i64} {
  func.func @body(%arg0: i32, %arg1: memref<1280x128xf32, #tpu.memory_space<vmem>>, %arg2: memref<128x32xf32, #tpu.memory_space<vmem>>, %arg3: memref<128x32xf32, #tpu.memory_space<vmem>>, %arg4: memref<1280x40xf32, #tpu.memory_space<vmem>>, %arg5: memref<1280x32xf32, #tpu.memory_space<vmem>>) attributes {dimension_semantics = [#tpu.dimension_semantics<arbitrary>], iteration_bounds = array<i64: 8>, scalar_prefetch = 0 : i64, scratch_operands = 0 : i64, tpu.core_type = #tpu.core_type<tc>, window_params = [{transform_indices = @transform_0, window_bounds = array<i64: 1280, 128>}, {pipeline_mode = #tpu.pipeline_mode<synchronous>, transform_indices = @transform_1, window_bounds = array<i64: 128, 32>}, {pipeline_mode = #tpu.pipeline_mode<synchronous>, transform_indices = @transform_2, window_bounds = array<i64: 128, 32>}, {transform_indices = @transform_3, window_bounds = array<i64: 1280, 40>}, {transform_indices = @transform_4, window_bounds = array<i64: 1280, 32>}]} {
    %get3A = arith.constant 0 : index
    %get3A_0 = arith.constant 0 : index
    %get3A_1 = vector.load %arg1[%get3A, %get3A_0] : memref<1280x128xf32, #tpu.memory_space<vmem>>, vector<1280x128xf32>
    %get3A_2 = arith.constant 0 : index
    %get3A_3 = arith.constant 0 : index
    %get3A_4 = vector.load %arg2[%get3A_2, %get3A_3] : memref<128x32xf32, #tpu.memory_space<vmem>>, vector<128x32xf32>
    %dot_general3A = arith.constant dense<0.000000e+00> : vector<1280x32xf32>
    %dot_general3A_5 = tpu.matmul %get3A_1, %get3A_4, %dot_general3A {dimension_numbers = #tpu.dot_dimension_numbers<[1], [0], [0], [1], [0, 0, 1, 1], [], []>, transpose_lhs_hint = false} : vector<1280x128xf32>, vector<128x32xf32>, vector<1280x32xf32> -> vector<1280x32xf32>
    %broadcast_in_dim3A = arith.constant 1.000000e+00 : f32
    %broadcast_in_dim3A_6 = vector.broadcast %broadcast_in_dim3A : f32 to vector<1280x8xf32>
    %concatenate3A = tpu.concatenate %dot_general3A_5, %broadcast_in_dim3A_6 in 1 : vector<1280x32xf32>, vector<1280x8xf32> -> vector<1280x40xf32>
    %swap3A = arith.constant 0 : index
    %swap3A_7 = arith.constant 0 : index
    %swap3A_8 = vector.load %arg4[%swap3A, %swap3A_7] : memref<1280x40xf32, #tpu.memory_space<vmem>>, vector<1280x40xf32>
    tpu.vector_store %arg4[%swap3A, %swap3A_7], %concatenate3A {strides = array<i32>} : memref<1280x40xf32, #tpu.memory_space<vmem>>, vector<1280x40xf32>,
    %get3A_9 = arith.constant 0 : index
    %get3A_10 = arith.constant 0 : index
    %get3A_11 = vector.load %arg3[%get3A_9, %get3A_10] : memref<128x32xf32, #tpu.memory_space<vmem>>, vector<128x32xf32>
    %dot_general3A_12 = arith.constant dense<0.000000e+00> : vector<1280x32xf32>
    %dot_general3A_13 = tpu.matmul %get3A_1, %get3A_11, %dot_general3A_12 {dimension_numbers = #tpu.dot_dimension_numbers<[1], [0], [0], [1], [0, 0, 1, 1], [], []>, transpose_lhs_hint = false} : vector<1280x128xf32>, vector<128x32xf32>, vector<1280x32xf32> -> vector<1280x32xf32>
    %swap3A_14 = arith.constant 0 : index
    %swap3A_15 = arith.constant 0 : index
    %swap3A_16 = vector.load %arg5[%swap3A_14, %swap3A_15] : memref<1280x32xf32, #tpu.memory_space<vmem>>, vector<1280x32xf32>
    tpu.vector_store %arg5[%swap3A_14, %swap3A_15], %dot_general3A_13 {strides = array<i32>} : memref<1280x32xf32, #tpu.memory_space<vmem>>, vector<1280x32xf32>,
    return
  }
  func.func @transform_0(%arg0: i32) -> (i32, i32) {
    %c0_i32 = arith.constant 0 : i32
    %c0_i32_0 = arith.constant 0 : i32
    return %arg0, %c0_i32 : i32, i32
  }
  func.func @transform_1(%arg0: i32) -> (i32, i32) {
    %c0_i32 = arith.constant 0 : i32
    %c0_i32_0 = arith.constant 0 : i32
    %c0_i32_1 = arith.constant 0 : i32
    return %c0_i32, %c0_i32_0 : i32, i32
  }
  func.func @transform_2(%arg0: i32) -> (i32, i32) {
    %c0_i32 = arith.constant 0 : i32
    %c0_i32_0 = arith.constant 0 : i32
    %c0_i32_1 = arith.constant 0 : i32
    return %c0_i32, %c0_i32_0 : i32, i32
  }
  func.func @transform_3(%arg0: i32) -> (i32, i32) {
    %c0_i32 = arith.constant 0 : i32
    %c0_i32_0 = arith.constant 0 : i32
    return %arg0, %c0_i32 : i32, i32
  }
  func.func @transform_4(%arg0: i32) -> (i32, i32) {
    %c0_i32 = arith.constant 0 : i32
    %c0_i32_0 = arith.constant 0 : i32
    return %arg0, %c0_i32 : i32, i32
  }
}

module attributes {stable_mosaic.version = 14 : i64} {
  func.func @body(%arg0: i32, %arg1: memref<2x2000x32xf32, #tpu.memory_space<vmem>>, %arg2: memref<2x2000x40xf32, #tpu.memory_space<vmem>>, %arg3: memref<2000x32xf32, #tpu.memory_space<vmem>>, %arg4: memref<32x64xf32, #tpu.memory_space<vmem>>, %arg5: memref<32x64xf32, #tpu.memory_space<vmem>>, %arg6: memref<1x64xf32, #tpu.memory_space<vmem>>, %arg7: memref<2000x64xf32, #tpu.memory_space<vmem>>) attributes {dimension_semantics = [#tpu.dimension_semantics<arbitrary>], iteration_bounds = array<i64: 5>, scalar_prefetch = 0 : i64, scratch_operands = 0 : i64, tpu.core_type = #tpu.core_type<tc>, window_params = [{transform_indices = @transform_0, window_bounds = array<i64: 2, 2000, 32>}, {transform_indices = @transform_1, window_bounds = array<i64: 2, 2000, 40>}, {transform_indices = @transform_2, window_bounds = array<i64: 2000, 32>}, {pipeline_mode = #tpu.pipeline_mode<synchronous>, transform_indices = @transform_3, window_bounds = array<i64: 32, 64>}, {pipeline_mode = #tpu.pipeline_mode<synchronous>, transform_indices = @transform_4, window_bounds = array<i64: 32, 64>}, {pipeline_mode = #tpu.pipeline_mode<synchronous>, transform_indices = @transform_5, window_bounds = array<i64: 1, 64>}, {transform_indices = @transform_6, window_bounds = array<i64: 2000, 64>}]} {
    %get3A = arith.constant 0 : index
    %get3A_0 = arith.constant 0 : index
    %get3A_1 = arith.constant 0 : index
    %get3A_2 = vector.load %arg1[%get3A, %get3A_0, %get3A_1] : memref<2x2000x32xf32, #tpu.memory_space<vmem>>, vector<2x2000x32xf32>
    %get3A_3 = arith.constant 0 : index
    %get3A_4 = arith.constant 0 : index
    %get3A_5 = arith.constant 0 : index
    %get3A_6 = vector.load %arg2[%get3A_3, %get3A_4, %get3A_5] : memref<2x2000x40xf32, #tpu.memory_space<vmem>>, vector<2x2000x40xf32>
    %slice3A = vector.extract_strided_slice %get3A_6 {offsets = [0, 0, 32], sizes = [1, 2000, 1], strides = [1, 1, 1]} : vector<2x2000x40xf32> to vector<1x2000x1xf32>
    %squeeze3A = vector.shape_cast %slice3A : vector<1x2000x1xf32> to vector<2000x1xf32>
    %slice3A_7 = vector.extract_strided_slice %get3A_6 {offsets = [1, 0, 32], sizes = [1, 2000, 1], strides = [1, 1, 1]} : vector<2x2000x40xf32> to vector<1x2000x1xf32>
    %squeeze3A_8 = vector.shape_cast %slice3A_7 : vector<1x2000x1xf32> to vector<2000x1xf32>
    %add3A = arith.addf %squeeze3A, %squeeze3A_8 : vector<2000x1xf32>
    %slice3A_9 = vector.extract_strided_slice %get3A_2 {offsets = [0, 0, 0], sizes = [1, 2000, 32], strides = [1, 1, 1]} : vector<2x2000x32xf32> to vector<1x2000x32xf32>
    %squeeze3A_10 = vector.shape_cast %slice3A_9 : vector<1x2000x32xf32> to vector<2000x32xf32>
    %slice3A_11 = vector.extract_strided_slice %get3A_2 {offsets = [1, 0, 0], sizes = [1, 2000, 32], strides = [1, 1, 1]} : vector<2x2000x32xf32> to vector<1x2000x32xf32>
    %squeeze3A_12 = vector.shape_cast %slice3A_11 : vector<1x2000x32xf32> to vector<2000x32xf32>
    %add3A_13 = arith.addf %squeeze3A_10, %squeeze3A_12 : vector<2000x32xf32>
    %max3A = arith.constant 1.000000e+00 : f32
    %max3A_14 = vector.broadcast %max3A : f32 to vector<2000x1xf32>
    %max3A_15 = arith.maximumf %add3A, %max3A_14 : vector<2000x1xf32>
    %div3A = vector.broadcast %max3A_15 : vector<2000x1xf32> to vector<2000x32xf32>
    %div3A_16 = arith.divf %add3A_13, %div3A : vector<2000x32xf32>
    %get3A_17 = arith.constant 0 : index
    %get3A_18 = arith.constant 0 : index
    %get3A_19 = vector.load %arg4[%get3A_17, %get3A_18] : memref<32x64xf32, #tpu.memory_space<vmem>>, vector<32x64xf32>
    %dot_general3A = arith.constant dense<0.000000e+00> : vector<2000x64xf32>
    %dot_general3A_20 = tpu.matmul %div3A_16, %get3A_19, %dot_general3A {dimension_numbers = #tpu.dot_dimension_numbers<[1], [0], [0], [1], [0, 0, 1, 1], [], []>, transpose_lhs_hint = false} : vector<2000x32xf32>, vector<32x64xf32>, vector<2000x64xf32> -> vector<2000x64xf32>
    %get3A_21 = arith.constant 0 : index
    %get3A_22 = arith.constant 0 : index
    %get3A_23 = vector.load %arg6[%get3A_21, %get3A_22] : memref<1x64xf32, #tpu.memory_space<vmem>>, vector<1x64xf32>
    %add3A_24 = vector.broadcast %get3A_23 : vector<1x64xf32> to vector<2000x64xf32>
    %add3A_25 = arith.addf %dot_general3A_20, %add3A_24 : vector<2000x64xf32>
    %get3A_26 = arith.constant 0 : index
    %get3A_27 = arith.constant 0 : index
    %get3A_28 = vector.load %arg3[%get3A_26, %get3A_27] : memref<2000x32xf32, #tpu.memory_space<vmem>>, vector<2000x32xf32>
    %get3A_29 = arith.constant 0 : index
    %get3A_30 = arith.constant 0 : index
    %get3A_31 = vector.load %arg5[%get3A_29, %get3A_30] : memref<32x64xf32, #tpu.memory_space<vmem>>, vector<32x64xf32>
    %dot_general3A_32 = arith.constant dense<0.000000e+00> : vector<2000x64xf32>
    %dot_general3A_33 = tpu.matmul %get3A_28, %get3A_31, %dot_general3A_32 {dimension_numbers = #tpu.dot_dimension_numbers<[1], [0], [0], [1], [0, 0, 1, 1], [], []>, transpose_lhs_hint = false} : vector<2000x32xf32>, vector<32x64xf32>, vector<2000x64xf32> -> vector<2000x64xf32>
    %add3A_34 = arith.addf %add3A_25, %dot_general3A_33 : vector<2000x64xf32>
    %reduce_max3A = arith.constant dense<0xFF800000> : vector<2000xf32>
    %reduce_max3A_35 = vector.multi_reduction <maximumf>, %add3A_34, %reduce_max3A [1] : vector<2000x64xf32> to vector<2000xf32>
    %broadcast_in_dim3A = vector.shape_cast %reduce_max3A_35 : vector<2000xf32> to vector<2000x1xf32>
    %sub3A = vector.broadcast %broadcast_in_dim3A : vector<2000x1xf32> to vector<2000x64xf32>
    %sub3A_36 = arith.subf %add3A_34, %sub3A : vector<2000x64xf32>
    %exp3A = math.exp %sub3A_36 : vector<2000x64xf32>
    %sub3A_37 = vector.broadcast %broadcast_in_dim3A : vector<2000x1xf32> to vector<2000x64xf32>
    %sub3A_38 = arith.subf %add3A_34, %sub3A_37 : vector<2000x64xf32>
    %reduce_sum3A = arith.constant dense<0.000000e+00> : vector<2000xf32>
    %reduce_sum3A_39 = vector.multi_reduction <add>, %exp3A, %reduce_sum3A [1] : vector<2000x64xf32> to vector<2000xf32>
    %broadcast_in_dim3A_40 = vector.shape_cast %reduce_sum3A_39 : vector<2000xf32> to vector<2000x1xf32>
    %log3A = math.log %broadcast_in_dim3A_40 : vector<2000x1xf32>
    %sub3A_41 = vector.broadcast %log3A : vector<2000x1xf32> to vector<2000x64xf32>
    %sub3A_42 = arith.subf %sub3A_38, %sub3A_41 : vector<2000x64xf32>
    %swap3A = arith.constant 0 : index
    %swap3A_43 = arith.constant 0 : index
    %swap3A_44 = vector.load %arg7[%swap3A, %swap3A_43] : memref<2000x64xf32, #tpu.memory_space<vmem>>, vector<2000x64xf32>
    tpu.vector_store %arg7[%swap3A, %swap3A_43], %sub3A_42 {strides = array<i32>} : memref<2000x64xf32, #tpu.memory_space<vmem>>, vector<2000x64xf32>,
    return
  }
  func.func @transform_0(%arg0: i32) -> (i32, i32, i32) {
    %c0_i32 = arith.constant 0 : i32
    %c0_i32_0 = arith.constant 0 : i32
    %c0_i32_1 = arith.constant 0 : i32
    return %c0_i32, %arg0, %c0_i32_0 : i32, i32, i32
  }
  func.func @transform_1(%arg0: i32) -> (i32, i32, i32) {
    %c0_i32 = arith.constant 0 : i32
    %c0_i32_0 = arith.constant 0 : i32
    %c0_i32_1 = arith.constant 0 : i32
    return %c0_i32, %arg0, %c0_i32_0 : i32, i32, i32
  }
  func.func @transform_2(%arg0: i32) -> (i32, i32) {
    %c0_i32 = arith.constant 0 : i32
    %c0_i32_0 = arith.constant 0 : i32
    return %arg0, %c0_i32 : i32, i32
  }
  func.func @transform_3(%arg0: i32) -> (i32, i32) {
    %c0_i32 = arith.constant 0 : i32
    %c0_i32_0 = arith.constant 0 : i32
    %c0_i32_1 = arith.constant 0 : i32
    return %c0_i32, %c0_i32_0 : i32, i32
  }
  func.func @transform_4(%arg0: i32) -> (i32, i32) {
    %c0_i32 = arith.constant 0 : i32
    %c0_i32_0 = arith.constant 0 : i32
    %c0_i32_1 = arith.constant 0 : i32
    return %c0_i32, %c0_i32_0 : i32, i32
  }
  func.func @transform_5(%arg0: i32) -> (i32, i32) {
    %c0_i32 = arith.constant 0 : i32
    %c0_i32_0 = arith.constant 0 : i32
    %c0_i32_1 = arith.constant 0 : i32
    return %c0_i32, %c0_i32_0 : i32, i32
  }
  func.func @transform_6(%arg0: i32) -> (i32, i32) {
    %c0_i32 = arith.constant 0 : i32
    %c0_i32_0 = arith.constant 0 : i32
    return %arg0, %c0_i32 : i32, i32
  }
}

</mosaic_0001>

<sc_bundles>
// kernel: kernel.6.cloned.1.call-start
scs
__scs_entry_jumppad:
0x0: {  	(pc) =	sbr.rel $0x88, $3  }
0x1: {  	(tag) =	ssettag $0x0;
	lr =	simm.s32 $0x1  }
0x2: {  	[smem:$0x3F99] =	sst lr;
	_ =	strace $0xD0000000  }
0x3: {  	_ = 	snop  }
0x4: {  	_ = 	snop  }
0x5: {  	_ = 	snop  }
0x6: {  	_ = 	snop  }
0x7: {  	_ = 	snop  }
__scs_overlays_trampoline_lowered:
0x8: {  	[smem:$0x3FA8] =	sst s0  }
0x9: {  	[smem:$0x3FA9] =	sst s1  }
0xa: {  	[smem:$0x3FAA] =	sst s2  }
0xb: {  	[smem:$0x3FAB] =	sst s3  }
0xc: {  	[smem:$0x3FAC] =	sst s4  }
0xd: {  	[smem:$0x3FAD] =	sst s5  }
0xe: {  	[smem:$0x3FAE] =	sst s6  }
0xf: {  	[smem:$0x3FAF] =	sst s7  }
0x10: {  	[smem:$0x3FB0] =	sst s8  }
0x11: {  	[smem:$0x3FB1] =	sst s9;
	s0 =	simm.s32 @!p0 $0x0  }
0x12: {  	s1 =	sld [smem:$0x3F97];
	s0 =	simm.s32 @p0 $0x1  }
0x13: {  	[smem:$0x3FB2] =	sst s0;
	s0 =	simm.s32 @!p1 $0x0  }
0x14: {  	s2 =	sld [smem:$0x3F96];
	s0 =	simm.s32 @p1 $0x1  }
0x15: {  	[smem:$0x3FB3] =	sst s0;
	s0 =	simm.s32 @!p2 $0x0  }
0x16: {  	s3 =	sld [smem:$0x3FDB];
	s0 =	simm.s32 @p2 $0x1  }
0x17: {  	s4 =	simm.s32 $0x1BF5;
	[smem:$0x3FB5] =	sst s0  }
0x18: {  	s0 =	sld [smem:$0x3F98];
	_ =	swait.ge [sflag:s4], $0x0  }
0x19: {  	s7 =	sld [smem:$0x3F99]  }
0x1a: {  	s8 =	sadd.s32 $0xFFFFE003, lr  }
0x1b: {  	s9 =	sadd.s32 $0xFFFFFEF7, lr;
	s5 =	simm.s32 $0xFFFFFFFF;
	p2 =	slt.u32 s8, $0xFFFFF086  }
0x1c: {  	p1 =	slt.u32 s9, $0xF7A;
	s5 =	simm.s32 @!p2 $0x0  }
0x1d: {  	s5 =	simm.s32 @p1 $0x1;
	p0 =	seq.s32 s7, s2  }
0x1e: {  	s7 =	smul.u32 @!p0 $0xF7A, s2;
	p2 =	seq.s32 @!p0 s5, $0x0  }
0x1f: {  	s9 =	smul.u32 $0xF7A, s1;
	s8 =	simm.s32 @!p0 $0x1BF5;
	p2 =	por !p2, p0  }
0x20: {  	[sflag:s8] =	ssyncset.s32 @!p0 $0xFFFFF086;
	s6 =	sadd.s32 @!p0 s3, s7;
	s7 =	simm.s32 @!p0 $0x108  }
0x21: {  	s3 =	sadd.s32 s3, s9;
	s6 =	sadd.s32 @!p0 $0x88, s6;
	s7 =	simm.s32 @p2 $0x1082  }
0x22: {  	[simem:s7], [sflag:s8] =	dma.local @!p0 [hbm:s6], $0xF7A  }
0x23: {  	s9 =	sor.u32 $0xD0000000, s2;
	s6 =	simm.s32 $0x108;
	_ =	swait.ge @!p0 [sflag:s8], $0x0  }
0x24: {  	s3 =	sadd.s32 $0x88, s3;
	s6 =	simm.s32 @!p1 $0x1082;
	[sflag:s4] =	ssyncset.s32 $0xFFFFF086  }
0x25: {  	[simem:s6], [sflag:s4] =	dma.local [hbm:s3], $0xF7A  }
0x26: {  	[smem:$0x3F99] =	sst s1;
	(tag) =	ssettag s2;
	_ =	strace s9  }
0x27: {  	s1 =	sld [smem:$0x3FA9]  }
0x28: {  	s2 =	sld [smem:$0x3FAA]  }
0x29: {  	s4 =	sld [smem:$0x3FAC]  }
0x2a: {  	p0 =	seq.s32 s5, $0x0;
	s5 =	sld [smem:$0x3FAD]  }
0x2b: {  	s6 =	sld [smem:$0x3FAE]  }
0x2c: {  	s7 =	sld [smem:$0x3FAF]  }
0x2d: {  	s3 =	simm.s32 $0x108;
	s8 =	sld [smem:$0x3FB0]  }
0x2e: {  	s3 =	simm.s32 @!p0 $0x1082;
	s9 =	sld [smem:$0x3FB1]  }
0x2f: {  	lr =	sadd.s32 s0, s3;
	s0 =	sld [smem:$0x3FA8]  }
0x30: {  	s3 =	sld [smem:$0x3FAB]  }
0x31: {  	[smem:$0x3FB4] =	sst s10  }
0x32: {  	s10 =	sld [smem:$0x3FB2];
	_ =	sdelay $0x3  }
0x33: {  	p0 =	seq.s32 s10, $0x1;
	s10 =	sld [smem:$0x3FB4];
	_ =	sdelay $0x3  }
0x34: {  	[smem:$0x3FB4] =	sst s10  }
0x35: {  	s10 =	sld [smem:$0x3FB3];
	_ =	sdelay $0x3  }
0x36: {  	p1 =	seq.s32 s10, $0x1;
	s10 =	sld [smem:$0x3FB4];
	_ =	sdelay $0x3  }
0x37: {  	[smem:$0x3FB4] =	sst s10  }
0x38: {  	s10 =	sld [smem:$0x3FB5]  }
0x39: {  	_ = 	snop;
	(pc) =	sbr.ind lr, $3  }
0x3a: {  	_ = 	snop  }
0x3b: {  	_ = 	snop  }
0x3c: {  	p2 =	seq.s32 s10, $0x1;
	s10 =	sld [smem:$0x3FB4]  }
0x3d: {  	_ =	shalt  }
0x3e: {  	_ =	shalt  }
0x3f: {  	_ =	shalt  }
0x40: {  	_ =	shalt  }
0x41: {  	_ =	shalt  }
0x42: {  	_ =	shalt  }
0x43: {  	_ =	shalt  }
0x44: {  	_ =	shalt  }
0x45: {  	_ =	shalt  }
0x46: {  	_ =	shalt  }
0x47: {  	_ =	shalt  }
0x48: {  	_ =	shalt  }
0x49: {  	_ =	shalt  }
0x4a: {  	_ =	shalt  }
0x4b: {  	_ =	shalt  }
0x4c: {  	_ =	shalt  }
0x4d: {  	_ =	shalt  }
0x4e: {  	_ =	shalt  }
0x4f: {  	_ =	shalt  }
0x50: {  	_ =	shalt  }
0x51: {  	_ =	shalt  }
0x52: {  	_ =	shalt  }
0x53: {  	_ =	shalt  }
0x54: {  	_ =	shalt  }
0x55: {  	_ =	shalt  }
0x56: {  	_ =	shalt  }
0x57: {  	_ =	shalt  }
0x58: {  	_ =	shalt  }
0x59: {  	_ =	shalt  }
0x5a: {  	_ =	shalt  }
0x5b: {  	_ =	shalt  }
0x5c: {  	_ =	shalt  }
0x5d: {  	_ =	shalt  }
0x5e: {  	_ =	shalt  }
0x5f: {  	_ =	shalt  }
0x60: {  	_ =	shalt  }
0x61: {  	_ =	shalt  }
0x62: {  	_ =	shalt  }
0x63: {  	_ =	shalt  }
0x64: {  	_ =	shalt  }
0x65: {  	_ =	shalt  }
0x66: {  	_ =	shalt  }
0x67: {  	_ =	shalt  }
0x68: {  	_ =	shalt  }
0x69: {  	_ =	shalt  }
0x6a: {  	_ =	shalt  }
0x6b: {  	_ =	shalt  }
0x6c: {  	_ =	shalt  }
0x6d: {  	_ =	shalt  }
0x6e: {  	_ =	shalt  }
0x6f: {  	_ =	shalt  }
0x70: {  	_ =	shalt  }
0x71: {  	_ =	shalt  }
0x72: {  	_ =	shalt  }
0x73: {  	_ =	shalt  }
0x74: {  	_ =	shalt  }
0x75: {  	_ =	shalt  }
0x76: {  	_ =	shalt  }
0x77: {  	_ =	shalt  }
0x78: {  	_ =	shalt  }
0x79: {  	_ =	shalt  }
0x7a: {  	_ =	shalt  }
0x7b: {  	_ =	shalt  }
0x7c: {  	_ =	shalt  }
0x7d: {  	_ =	shalt  }
0x7e: {  	_ =	shalt  }
0x7f: {  	_ =	shalt  }
0x80: {  	_ =	shalt  }
0x81: {  	_ =	shalt  }
0x82: {  	_ =	shalt  }
0x83: {  	_ =	shalt  }
0x84: {  	_ =	shalt  }
0x85: {  	_ =	shalt  }
0x86: {  	_ =	shalt  }
0x87: {  	_ =	shalt  }
.Lfunc_end0:
.L_simem_size_0:
called_computation_lowered:
.L_overlay_start_0:
0x88: {  	s2 =	sld [smem:$0x3FD9]  }
0x89: {  	s3 =	sld [smem:$0x3FFE];
	_ =	sdelay $0x1  }
0x8a: {  	s1 =	srdreg.scid  }
0x8b: {  	s0 =	sand.u32 $0x1, s1  }
0x8c: {  	s17 =	sshll.u32 s0, $0xA;
	s2 =	sadd.s32 s3, s2  }
0x8d: {  	s2 =	sadd.s32 s2, s17  }
0x8e: {  	[smem:$0x3FC0] =	sst s2  }
0x8f: {  	_ = 	snop  }
0x90: {  	s2 =	sld [smem:$0x3FD0];
	(tm) =	ssettm $0x1  }
0x91: {  	s18 =	sld [smem:$0x3FFB];
	_ =	sdelay $0x3  }
0x92: {  	_ =	strace s18  }
0x93: {  	s3 =	sld [smem:$0x3FFC];
	_ =	sdelay $0x3  }
0x94: {  	_ =	strace s3  }
0x95: {  	s3 =	sld [smem:$0x3FFD];
	_ =	sdelay $0x3  }
0x96: {  	_ =	strace s3  }
0x97: {  	_ =	strace $0x8FFFFFFF  }
0x98: {  	s19 =	sld [smem:$0x3FDB];
	_ =	sdelay $0x1  }
0x99: {  	s4 =	simm.s32 $_scs_section_size  }
0x9a: {  	s5 =	simm.s32 $_size__tile_overlayer_lowered;
	s6 =	simm.s32 $_tile_overlayer_lowered  }
0x9b: {  	s22 =	simm.s32 $0x1BFF;
	s21 =	sshll.u32 s6, $0x1;
	s3 =	sadd.s32 s4, s19  }
0x9c: {  	s7 =	simm.s32 $0x0;
	s20 =	sshll.u32 s5, $0x1;
	s5 =	sadd.s32 s21, s3  }
0x9d: {  	[timem:s7], [sflag:s22] =	dma.local [hbm:s5], s20  }
0x9e: {  	_ =	swait.ge [sflag:s22], s20  }
0x9f: {  	s4 =	ssub.s32 $0x0, s20;
	[sflag:s22] =	ssyncset.done $0x0  }
0xa0: {  	[sflag:s22] =	ssyncadd.s32 s4;
	_ =	sdelay $0x1  }
0xa1: {  	s23 =	simm.s32 $0x1B8B  }
0xa2: {  	_ =	swait.ge [sflag:s23], $0x1  }
0xa3: {  	[sflag:s23] =	ssyncset.done $0x0  }
0xa4: {  	s25 =	simm.s32 $0x1B8E;
	s24 =	sld [smem:$0x3FFE];
	[sflag:s23] =	ssyncadd.s32 $0xFFFFFFFF  }
0xa5: {  	s26 =	simm.s32 $execute0_lowered;
	[smem:$0x3FD2] =	sst s25  }
0xa6: {  	s5 =	sshll.u32 s26, $0x1;
	_ =	strace $0x80000046;
	[dreg:$0x1] =	wrdreg $0xFFFFFFFF  }
0xa7: {  	s28 =	simm.s32 $_size_execute0_lowered;
	s3 =	sadd.s32 s3, s5;
	[dreg:$0x0] =	wrdreg $0x0  }
0xa8: {  	s5 =	sshll.u32 s28, $0x1;
	[dreg:$0x2] =	wrdreg s3  }
0xa9: {  	[dreg:$0x3] =	wrdreg s5  }
0xaa: {  	[dreg:$0x4] =	wrdreg $0xC0  }
0xab: {  	_ =	task [dreg:s7], $0x5FFFF  }
0xac: {  	[dreg:$0x1] =	wrdreg $0xFFFFFFFF  }
0xad: {  	[dreg:$0x0] =	wrdreg $0x60  }
0xae: {  	[dreg:$0x2] =	wrdreg s2  }
0xaf: {  	[dreg:$0x3] =	wrdreg s24  }
0xb0: {  	[dreg:$0x4] =	wrdreg $0xEC400  }
0xb1: {  	[dreg:$0x5] =	wrdreg $0x9  }
0xb2: {  	_ =	task.clear_ibuf [dreg:s7], $0x6FFFF;
	_ =	strace $0x90000046  }
0xb3: {  	s29 =	simm.s32 $0x9;
	_ =	strace $0x80000048  }
0xb4: {  	_ =	swait.ge [sflag:s29], $0x1  }
0xb5: {  	[sflag:s29] =	ssyncadd.s32 $0xFFFFFFFF  }
0xb6: {  	_ =	strace $0x90000048  }
0xb7: {  	_ =	sfence  }
0xb8: {  	s30 =	sld [smem:$0x0];
	_ =	sdelay $0x2  }
0xb9: {  	s31 =	sshll.u32 s1, $0xD;
	s1 =	sshrl.u32 s1, $0x2  }
0xba: {  	s3 =	sand.u32 $0x4000, s31;
	s1 =	sadd.s32 s1, s30  }
0xbb: {  	s0 =	sor.u32 s3, s0;
	s1 =	sshll.u32 s1, $0x11  }
0xbc: {  	s0 =	sor.u32 s1, s0  }
0xbd: {  	s0 =	sadd.s32 $0x8F2B, s0  }
0xbe: {  	[sflag:s0] =	ssyncadd.remote.s32 $0x1  }
0xbf: {  	_ =	sfence.sel $0xFFFF  }
0xc0: {  	[dreg:$0x0] =	wrdreg $0xFFFFFFFF;
	(pc) =	sbr.abs _section_cstart, $3  }
0xc1: {  	[dreg:$0x1] =	wrdreg $0xFFFFFFFF  }
0xc2: {  	_ =	task.clear_ibuf [dreg:s7], $0x2FFFF;
	_ =	strace $0x9FFFFFFF  }
0xc3: {  	(tm) =	ssettm $0x7FFFFFFF  }
tec
execute0_lowered:
.L_overlay_start_1:
0x0: {  	(tag) =	ssettag $0x1  }
0x1: {  	s2 =	rddreg [dreg:$0x0]  }
0x2: {  	s0 =	srdreg.scid;
	s4 =	rddreg [dreg:$0x1]  }
0x3: {  	s8 =	stileid.u32;
	s3 =	rddreg [dreg:$0x2]  }
0x4: {  	s7 =	simm.s32 $0x0;
	s12 =	simm.s32 $0x9;
	s14 =	simm.s32 $0x7D  }
0x5: {  	s15 =	simm.s32 $0x5000;
	s16 =	simm.s32 $0x6388;
	s17 =	simm.s32 $0x7710  }
0x6: {  	s18 =	simm.s32 $0x8A98;
	s19 =	simm.s32 $0x9E20;
	s20 =	simm.s32 $0xB1A8  }
0x7: {  	s21 =	simm.s32 $0xC530;
	s22 =	simm.s32 $0xD8B8;
	s23 =	simm.s32 $0x1  }
0x8: {  	s28 =	simm.s32 $0x5;
	s29 =	simm.s32 $0x6;
	s30 =	simm.s32 $0x7  }
0x9: {  	s31 =	simm.s32 $0x8;
	s0 =	sand.u32 $0x1, s0;
	s5 =	smul.u32 $0x6400, s8  }
0xa: {  	[smem:$0x7FF] =	sst s7;
	s26 =	sshll.u32 s8, $0x6;
	s1 =	sshll.u32 s0, $0x4  }
0xb: {  	s6 =	smul.u32 $0x64000, s0;
	_ =	strace $0x80000047;
	s0 =	ssub.s32 $0x2, s0  }
0xc: {  	s1 =	sor.u32 s8, s1;
	s24 =	sshrl.u32 s5, $0x3;
	s25 =	sshrl.u32 s0, $0x1  }
0xd: {  	s1 =	smul.u32 $0x2800, s1;
	s6 =	sadd.s32 s5, s6;
	s7 =	sadd.s32 s24, s4  }
0xe: {  	s0 =	ssub.s32 s0, s25;
	s5 =	sadd.s32 s5, s3;
	s24 =	simm.s32 $0x2  }
0xf: {  	s25 =	simm.s32 $0x3;
	s6 =	sshrl.u32 s6, $0x3;
	s7 =	sadd.s32 $0x15A00, s7  }
0x10: {  	s10 =	smax.u32 s0, $0x1;
	s11 =	sshrl.u32 s5, $0x3;
	s1 =	sshrl.u32 s1, $0x3  }
0x11: {  	[dreg:$0x4] =	wrdreg s7;
	s1 =	sadd.s32 s1, s4;
	s4 =	sadd.s32 s6, s4  }
0x12: {  	s6 =	sor.u32 $0x1C09, s26;
	s26 =	simm.s32 $0x4;
	s7 =	sadd.s32 $0x1A00, s1  }
0x13: {  	s8 =	sadd.s32 $0xBA00, s1;
	s9 =	sadd.s32 $0x22200, s4;
	s1 =	simm.s32 $0x0  }
.LBB2_1:
0x14: {  	s0 =	rddreg [dreg:$0x4]  }
0x15: {  	[spmem:s11], [sflag:s6] =	dma.local [hbm:s0], $0xC80  }
0x16: {  	_ =	swait.ge [sflag:s12], $0xC80  }
0x17: {  	[sflag:s12] =	ssyncset.done $0x0  }
0x18: {  	s5 =	simm.s32 $0x0;
	[sflag:s12] =	ssyncadd.s32 $0xFFFFF380  }
0x19: {  	[tilespmem:s5], [sflag:$0x9] =	stream.linear.gather [hbm4b:s7+s5], $0x2800, $0x38;
	[tilespmem:$0x15040] =	vst v63  }
0x1a: {  	_ =	swait.ge [sflag:s12], $0x2800  }
0x1b: {  	[sflag:s12] =	ssyncset.done $0x0  }
0x1c: {  	s4 =	simm.s32 $0x2800;
	[sflag:s12] =	ssyncadd.s32 $0xFFFFD800  }
0x1d: {  	[tilespmem:s4], [sflag:$0x9] =	stream.linear.gather [hbm4b:s8+s5], $0x2800, $0x38;
	[tilespmem:$0x15040] =	vst v63  }
0x1e: {  	_ =	swait.ge [sflag:s12], $0x2800  }
0x1f: {  	[sflag:s12] =	ssyncset.done $0x0  }
0x20: {  	[sflag:s12] =	ssyncadd.s32 $0xFFFFD800  }
0x21: {  	s13 =	simm.s32 $0x0;
	[bflag:$0x0] =	sbarrier.arrive $0xFFFF  }
0x22: {  	[tilespmem:s15], [sflag:$0x1] =	stream.indirect.gather [hbm4b:s2+s14], $0x28, s13, s14, $0xb8;
	[tilespmem:$0x15040] =	vst v63  }
0x23: {  	s4 =	simm.s32 $0x80  }
0x24: {  	[tilespmem:s16], [sflag:$0x2] =	stream.indirect.gather [hbm4b:s2+s14], $0x28, s4, s14, $0xb8;
	[tilespmem:$0x15040] =	vst v63  }
0x25: {  	s5 =	simm.s32 $0x100  }
0x26: {  	[tilespmem:s17], [sflag:$0x3] =	stream.indirect.gather [hbm4b:s2+s14], $0x28, s5, s14, $0xb8;
	[tilespmem:$0x15040] =	vst v63  }
0x27: {  	s13 =	simm.s32 $0x180  }
0x28: {  	[tilespmem:s18], [sflag:$0x4] =	stream.indirect.gather [hbm4b:s2+s14], $0x28, s13, s14, $0xb8;
	[tilespmem:$0x15040] =	vst v63  }
0x29: {  	s4 =	simm.s32 $0x200  }
0x2a: {  	[tilespmem:s19], [sflag:$0x5] =	stream.indirect.gather [hbm4b:s2+s14], $0x28, s4, s14, $0xb8;
	[tilespmem:$0x15040] =	vst v63  }
0x2b: {  	s5 =	simm.s32 $0x280  }
0x2c: {  	[tilespmem:s20], [sflag:$0x6] =	stream.indirect.gather [hbm4b:s2+s14], $0x28, s5, s14, $0xb8;
	[tilespmem:$0x15040] =	vst v63  }
0x2d: {  	s13 =	simm.s32 $0x300  }
0x2e: {  	[tilespmem:s21], [sflag:$0x7] =	stream.indirect.gather [hbm4b:s2+s14], $0x28, s13, s14, $0xb8;
	[tilespmem:$0x15040] =	vst v63  }
0x2f: {  	s4 =	simm.s32 $0x380  }
0x30: {  	[tilespmem:s22], [sflag:$0x8] =	stream.indirect.gather [hbm4b:s2+s14], $0x28, s4, s14, $0xb8;
	[tilespmem:$0x15040] =	vst v63  }
0x31: {  	_ =	swait.ge [sflag:s23], $0x1388  }
0x32: {  	[sflag:s23] =	ssyncset.done $0x0  }
0x33: {  	s5 =	simm.s32 $0x2800;
	[sflag:s23] =	ssyncadd.s32 $0xFFFFEC78  }
0x34: {  	[spmem:s3] =	stream.indirect.scatter.add.f32 [tilespmem:s15], [sflag:$0x9], $0x28, s5, s14, $0xb8;
	[tilespmem:$0x15040] =	vst v63  }
0x35: {  	_ =	swait.ge [sflag:s12], $0x1388  }
0x36: {  	[sflag:s12] =	ssyncset.done $0x0  }
0x37: {  	[sflag:s12] =	ssyncadd.s32 $0xFFFFEC78  }
0x38: {  	_ =	swait.ge [sflag:s24], $0x1388  }
0x39: {  	[sflag:s24] =	ssyncset.done $0x0  }
0x3a: {  	s13 =	simm.s32 $0x2880;
	[sflag:s24] =	ssyncadd.s32 $0xFFFFEC78  }
0x3b: {  	[spmem:s3] =	stream.indirect.scatter.add.f32 [tilespmem:s16], [sflag:$0x9], $0x28, s13, s14, $0xb8;
	[tilespmem:$0x15040] =	vst v63  }
0x3c: {  	_ =	swait.ge [sflag:s12], $0x1388  }
0x3d: {  	[sflag:s12] =	ssyncset.done $0x0  }
0x3e: {  	[sflag:s12] =	ssyncadd.s32 $0xFFFFEC78  }
0x3f: {  	_ =	swait.ge [sflag:s25], $0x1388  }
0x40: {  	[sflag:s25] =	ssyncset.done $0x0  }
0x41: {  	s4 =	simm.s32 $0x2900;
	[sflag:s25] =	ssyncadd.s32 $0xFFFFEC78  }
0x42: {  	[spmem:s3] =	stream.indirect.scatter.add.f32 [tilespmem:s17], [sflag:$0x9], $0x28, s4, s14, $0xb8;
	[tilespmem:$0x15040] =	vst v63  }
0x43: {  	_ =	swait.ge [sflag:s12], $0x1388  }
0x44: {  	[sflag:s12] =	ssyncset.done $0x0  }
0x45: {  	[sflag:s12] =	ssyncadd.s32 $0xFFFFEC78  }
0x46: {  	_ =	swait.ge [sflag:s26], $0x1388  }
0x47: {  	[sflag:s26] =	ssyncset.done $0x0  }
0x48: {  	s5 =	simm.s32 $0x2980;
	[sflag:s26] =	ssyncadd.s32 $0xFFFFEC78  }
0x49: {  	[spmem:s3] =	stream.indirect.scatter.add.f32 [tilespmem:s18], [sflag:$0x9], $0x28, s5, s14, $0xb8;
	[tilespmem:$0x15040] =	vst v63  }
0x4a: {  	_ =	swait.ge [sflag:s12], $0x1388  }
0x4b: {  	[sflag:s12] =	ssyncset.done $0x0  }
0x4c: {  	[sflag:s12] =	ssyncadd.s32 $0xFFFFEC78  }
0x4d: {  	_ =	swait.ge [sflag:s28], $0x1388  }
0x4e: {  	[sflag:s28] =	ssyncset.done $0x0  }
0x4f: {  	s13 =	simm.s32 $0x2A00;
	[sflag:s28] =	ssyncadd.s32 $0xFFFFEC78  }
0x50: {  	[spmem:s3] =	stream.indirect.scatter.add.f32 [tilespmem:s19], [sflag:$0x9], $0x28, s13, s14, $0xb8;
	[tilespmem:$0x15040] =	vst v63  }
0x51: {  	_ =	swait.ge [sflag:s12], $0x1388  }
0x52: {  	[sflag:s12] =	ssyncset.done $0x0  }
0x53: {  	[sflag:s12] =	ssyncadd.s32 $0xFFFFEC78  }
0x54: {  	_ =	swait.ge [sflag:s29], $0x1388  }
0x55: {  	[sflag:s29] =	ssyncset.done $0x0  }
0x56: {  	s4 =	simm.s32 $0x2A80;
	[sflag:s29] =	ssyncadd.s32 $0xFFFFEC78  }
0x57: {  	[spmem:s3] =	stream.indirect.scatter.add.f32 [tilespmem:s20], [sflag:$0x9], $0x28, s4, s14, $0xb8;
	[tilespmem:$0x15040] =	vst v63  }
0x58: {  	_ =	swait.ge [sflag:s12], $0x1388  }
0x59: {  	[sflag:s12] =	ssyncset.done $0x0  }
0x5a: {  	[sflag:s12] =	ssyncadd.s32 $0xFFFFEC78  }
0x5b: {  	_ =	swait.ge [sflag:s30], $0x1388  }
0x5c: {  	[sflag:s30] =	ssyncset.done $0x0  }
0x5d: {  	s5 =	simm.s32 $0x2B00;
	[sflag:s30] =	ssyncadd.s32 $0xFFFFEC78  }
0x5e: {  	[spmem:s3] =	stream.indirect.scatter.add.f32 [tilespmem:s21], [sflag:$0x9], $0x28, s5, s14, $0xb8;
	[tilespmem:$0x15040] =	vst v63  }
0x5f: {  	_ =	swait.ge [sflag:s12], $0x1388  }
0x60: {  	[sflag:s12] =	ssyncset.done $0x0  }
0x61: {  	[sflag:s12] =	ssyncadd.s32 $0xFFFFEC78  }
0x62: {  	_ =	swait.ge [sflag:s31], $0x1388  }
0x63: {  	[sflag:s31] =	ssyncset.done $0x0  }
0x64: {  	s13 =	simm.s32 $0x2B80;
	[sflag:s31] =	ssyncadd.s32 $0xFFFFEC78  }
0x65: {  	[spmem:s3] =	stream.indirect.scatter.add.f32 [tilespmem:s22], [sflag:$0x9], $0x28, s13, s14, $0xb8;
	[tilespmem:$0x15040] =	vst v63  }
0x66: {  	_ =	swait.ge [sflag:s12], $0x1388  }
0x67: {  	s0 =	simm.s32 $0x1000;
	s13 =	simm.s32 $0x2000;
	[sflag:s12] =	ssyncset.done $0x0  }
.LBB2_2:
0x68: {  	s4 =	sshra.s32 s0, $0x2  }
0x69: {  	[sflag:s12] =	ssyncadd.s32 $0xFFFFEC78;
	s0 =	smov.u32 s13;
	s5 =	sadd.s32 $0x1000, s13  }
0x6a: {  	[tilespmem:s15], [sflag:$0x1] =	stream.indirect.gather [hbm4b:s2+s14], $0x28, s4, s14, $0xb8;
	[tilespmem:$0x15040] =	vst v63  }
0x6b: {  	p0 =	sne.s32 s13, $0x9000;
	s13 =	sadd.s32 $0x80, s4  }
0x6c: {  	[tilespmem:s16], [sflag:$0x2] =	stream.indirect.gather [hbm4b:s2+s14], $0x28, s13, s14, $0xb8;
	[tilespmem:$0x15040] =	vst v63  }
0x6d: {  	s13 =	sadd.s32 $0x100, s4  }
0x6e: {  	[tilespmem:s17], [sflag:$0x3] =	stream.indirect.gather [hbm4b:s2+s14], $0x28, s13, s14, $0xb8;
	[tilespmem:$0x15040] =	vst v63  }
0x6f: {  	s13 =	sadd.s32 $0x180, s4  }
0x70: {  	[tilespmem:s18], [sflag:$0x4] =	stream.indirect.gather [hbm4b:s2+s14], $0x28, s13, s14, $0xb8;
	[tilespmem:$0x15040] =	vst v63  }
0x71: {  	s13 =	sadd.s32 $0x200, s4  }
0x72: {  	[tilespmem:s19], [sflag:$0x5] =	stream.indirect.gather [hbm4b:s2+s14], $0x28, s13, s14, $0xb8;
	[tilespmem:$0x15040] =	vst v63  }
0x73: {  	s13 =	sadd.s32 $0x280, s4  }
0x74: {  	[tilespmem:s20], [sflag:$0x6] =	stream.indirect.gather [hbm4b:s2+s14], $0x28, s13, s14, $0xb8;
	[tilespmem:$0x15040] =	vst v63  }
0x75: {  	s13 =	sadd.s32 $0x300, s4  }
0x76: {  	[tilespmem:s21], [sflag:$0x7] =	stream.indirect.gather [hbm4b:s2+s14], $0x28, s13, s14, $0xb8;
	[tilespmem:$0x15040] =	vst v63  }
0x77: {  	s13 =	sadd.s32 $0x380, s4  }
0x78: {  	[tilespmem:s22], [sflag:$0x8] =	stream.indirect.gather [hbm4b:s2+s14], $0x28, s13, s14, $0xb8;
	[tilespmem:$0x15040] =	vst v63  }
0x79: {  	_ =	swait.ge [sflag:s23], $0x1388  }
0x7a: {  	[sflag:s23] =	ssyncset.done $0x0  }
0x7b: {  	s13 =	sadd.s32 $0x2800, s4;
	[sflag:s23] =	ssyncadd.s32 $0xFFFFEC78  }
0x7c: {  	[spmem:s3] =	stream.indirect.scatter.add.f32 [tilespmem:s15], [sflag:$0x9], $0x28, s13, s14, $0xb8;
	[tilespmem:$0x15040] =	vst v63  }
0x7d: {  	_ =	swait.ge [sflag:s12], $0x1388  }
0x7e: {  	[sflag:s12] =	ssyncset.done $0x0  }
0x7f: {  	[sflag:s12] =	ssyncadd.s32 $0xFFFFEC78  }
0x80: {  	_ =	swait.ge [sflag:s24], $0x1388  }
0x81: {  	[sflag:s24] =	ssyncset.done $0x0  }
0x82: {  	s13 =	sadd.s32 $0x2880, s4;
	[sflag:s24] =	ssyncadd.s32 $0xFFFFEC78  }
0x83: {  	[spmem:s3] =	stream.indirect.scatter.add.f32 [tilespmem:s16], [sflag:$0x9], $0x28, s13, s14, $0xb8;
	[tilespmem:$0x15040] =	vst v63  }
0x84: {  	_ =	swait.ge [sflag:s12], $0x1388  }
0x85: {  	[sflag:s12] =	ssyncset.done $0x0  }
0x86: {  	[sflag:s12] =	ssyncadd.s32 $0xFFFFEC78  }
0x87: {  	_ =	swait.ge [sflag:s25], $0x1388  }
0x88: {  	[sflag:s25] =	ssyncset.done $0x0  }
0x89: {  	s13 =	sadd.s32 $0x2900, s4;
	[sflag:s25] =	ssyncadd.s32 $0xFFFFEC78  }
0x8a: {  	[spmem:s3] =	stream.indirect.scatter.add.f32 [tilespmem:s17], [sflag:$0x9], $0x28, s13, s14, $0xb8;
	[tilespmem:$0x15040] =	vst v63  }
0x8b: {  	_ =	swait.ge [sflag:s12], $0x1388  }
0x8c: {  	[sflag:s12] =	ssyncset.done $0x0  }
0x8d: {  	[sflag:s12] =	ssyncadd.s32 $0xFFFFEC78  }
0x8e: {  	_ =	swait.ge [sflag:s26], $0x1388  }
0x8f: {  	[sflag:s26] =	ssyncset.done $0x0  }
0x90: {  	s13 =	sadd.s32 $0x2980, s4;
	[sflag:s26] =	ssyncadd.s32 $0xFFFFEC78  }
0x91: {  	[spmem:s3] =	stream.indirect.scatter.add.f32 [tilespmem:s18], [sflag:$0x9], $0x28, s13, s14, $0xb8;
	[tilespmem:$0x15040] =	vst v63  }
0x92: {  	_ =	swait.ge [sflag:s12], $0x1388  }
0x93: {  	[sflag:s12] =	ssyncset.done $0x0  }
0x94: {  	[sflag:s12] =	ssyncadd.s32 $0xFFFFEC78  }
0x95: {  	_ =	swait.ge [sflag:s28], $0x1388  }
0x96: {  	[sflag:s28] =	ssyncset.done $0x0  }
0x97: {  	s13 =	sadd.s32 $0x2A00, s4;
	[sflag:s28] =	ssyncadd.s32 $0xFFFFEC78  }
0x98: {  	[spmem:s3] =	stream.indirect.scatter.add.f32 [tilespmem:s19], [sflag:$0x9], $0x28, s13, s14, $0xb8;
	[tilespmem:$0x15040] =	vst v63  }
0x99: {  	_ =	swait.ge [sflag:s12], $0x1388  }
0x9a: {  	[sflag:s12] =	ssyncset.done $0x0  }
0x9b: {  	[sflag:s12] =	ssyncadd.s32 $0xFFFFEC78  }
0x9c: {  	_ =	swait.ge [sflag:s29], $0x1388  }
0x9d: {  	[sflag:s29] =	ssyncset.done $0x0  }
0x9e: {  	s13 =	sadd.s32 $0x2A80, s4;
	[sflag:s29] =	ssyncadd.s32 $0xFFFFEC78  }
0x9f: {  	[spmem:s3] =	stream.indirect.scatter.add.f32 [tilespmem:s20], [sflag:$0x9], $0x28, s13, s14, $0xb8;
	[tilespmem:$0x15040] =	vst v63  }
0xa0: {  	_ =	swait.ge [sflag:s12], $0x1388  }
0xa1: {  	[sflag:s12] =	ssyncset.done $0x0  }
0xa2: {  	[sflag:s12] =	ssyncadd.s32 $0xFFFFEC78  }
0xa3: {  	_ =	swait.ge [sflag:s30], $0x1388  }
0xa4: {  	[sflag:s30] =	ssyncset.done $0x0  }
0xa5: {  	s13 =	sadd.s32 $0x2B00, s4;
	[sflag:s30] =	ssyncadd.s32 $0xFFFFEC78  }
0xa6: {  	[spmem:s3] =	stream.indirect.scatter.add.f32 [tilespmem:s21], [sflag:$0x9], $0x28, s13, s14, $0xb8;
	[tilespmem:$0x15040] =	vst v63  }
0xa7: {  	_ =	swait.ge [sflag:s12], $0x1388  }
0xa8: {  	[sflag:s12] =	ssyncset.done $0x0  }
0xa9: {  	[sflag:s12] =	ssyncadd.s32 $0xFFFFEC78  }
0xaa: {  	_ =	swait.ge [sflag:s31], $0x1388  }
.Ltmp0:
0xab: {  	[sflag:s31] =	ssyncset.done $0x0;
	(pc) =	sbr.rel @p0 .LBB2_2-.Ltmp0, $4  }
0xac: {  	s4 =	sadd.s32 $0x2B80, s4;
	[sflag:s31] =	ssyncadd.s32 $0xFFFFEC78  }
0xad: {  	[spmem:s3] =	stream.indirect.scatter.add.f32 [tilespmem:s22], [sflag:$0x9], $0x28, s4, s14, $0xb8;
	[tilespmem:$0x15040] =	vst v63  }
0xae: {  	_ =	swait.ge [sflag:s12], $0x1388  }
0xaf: {  	s13 =	smov.u32 s5;
	[sflag:s12] =	ssyncset.done $0x0  }
0xb0: {  	s0 =	sshra.s32 s0, $0x2;
	[sflag:s12] =	ssyncadd.s32 $0xFFFFEC78  }
0xb1: {  	[tilespmem:s15], [sflag:$0x1] =	stream.indirect.gather [hbm4b:s2+s14], $0x28, s0, s14, $0xb8;
	[tilespmem:$0x15040] =	vst v63  }
0xb2: {  	s4 =	sadd.s32 $0x80, s0  }
0xb3: {  	[tilespmem:s16], [sflag:$0x2] =	stream.indirect.gather [hbm4b:s2+s14], $0x28, s4, s14, $0xb8;
	[tilespmem:$0x15040] =	vst v63  }
0xb4: {  	s13 =	sadd.s32 $0x100, s0  }
0xb5: {  	[tilespmem:s17], [sflag:$0x3] =	stream.indirect.gather [hbm4b:s2+s14], $0x28, s13, s14, $0xb8;
	[tilespmem:$0x15040] =	vst v63  }
0xb6: {  	s5 =	sadd.s32 $0x180, s0  }
0xb7: {  	[tilespmem:s18], [sflag:$0x4] =	stream.indirect.gather [hbm4b:s2+s14], $0x28, s5, s14, $0xb8;
	[tilespmem:$0x15040] =	vst v63  }
0xb8: {  	s13 =	sadd.s32 $0x200, s0  }
0xb9: {  	[tilespmem:s19], [sflag:$0x5] =	stream.indirect.gather [hbm4b:s2+s14], $0x28, s13, s14, $0xb8;
	[tilespmem:$0x15040] =	vst v63  }
0xba: {  	s5 =	sadd.s32 $0x280, s0  }
0xbb: {  	[tilespmem:s20], [sflag:$0x6] =	stream.indirect.gather [hbm4b:s2+s14], $0x28, s5, s14, $0xb8;
	[tilespmem:$0x15040] =	vst v63  }
0xbc: {  	s13 =	sadd.s32 $0x300, s0  }
0xbd: {  	[tilespmem:s21], [sflag:$0x7] =	stream.indirect.gather [hbm4b:s2+s14], $0x28, s13, s14, $0xb8;
	[tilespmem:$0x15040] =	vst v63  }
0xbe: {  	s5 =	sadd.s32 $0x380, s0  }
0xbf: {  	[tilespmem:s22], [sflag:$0x8] =	stream.indirect.gather [hbm4b:s2+s14], $0x28, s5, s14, $0xb8;
	[tilespmem:$0x15040] =	vst v63  }
0xc0: {  	_ =	swait.ge [sflag:s23], $0x1388  }
0xc1: {  	[sflag:s23] =	ssyncset.done $0x0  }
0xc2: {  	s13 =	sadd.s32 $0x2800, s0;
	[sflag:s23] =	ssyncadd.s32 $0xFFFFEC78  }
0xc3: {  	[spmem:s3] =	stream.indirect.scatter.add.f32 [tilespmem:s15], [sflag:$0x9], $0x28, s13, s14, $0xb8;
	[tilespmem:$0x15040] =	vst v63  }
0xc4: {  	_ =	swait.ge [sflag:s12], $0x1388  }
0xc5: {  	[sflag:s12] =	ssyncset.done $0x0  }
0xc6: {  	[sflag:s12] =	ssyncadd.s32 $0xFFFFEC78  }
0xc7: {  	_ =	swait.ge [sflag:s24], $0x1388  }
0xc8: {  	[sflag:s24] =	ssyncset.done $0x0  }
0xc9: {  	s5 =	sadd.s32 $0x2880, s0;
	[sflag:s24] =	ssyncadd.s32 $0xFFFFEC78  }
0xca: {  	[spmem:s3] =	stream.indirect.scatter.add.f32 [tilespmem:s16], [sflag:$0x9], $0x28, s5, s14, $0xb8;
	[tilespmem:$0x15040] =	vst v63  }
0xcb: {  	_ =	swait.ge [sflag:s12], $0x1388  }
0xcc: {  	[sflag:s12] =	ssyncset.done $0x0  }
0xcd: {  	[sflag:s12] =	ssyncadd.s32 $0xFFFFEC78  }
0xce: {  	_ =	swait.ge [sflag:s25], $0x1388  }
0xcf: {  	[sflag:s25] =	ssyncset.done $0x0  }
0xd0: {  	s13 =	sadd.s32 $0x2900, s0;
	[sflag:s25] =	ssyncadd.s32 $0xFFFFEC78  }
0xd1: {  	[spmem:s3] =	stream.indirect.scatter.add.f32 [tilespmem:s17], [sflag:$0x9], $0x28, s13, s14, $0xb8;
	[tilespmem:$0x15040] =	vst v63  }
0xd2: {  	_ =	swait.ge [sflag:s12], $0x1388  }
0xd3: {  	[sflag:s12] =	ssyncset.done $0x0  }
0xd4: {  	[sflag:s12] =	ssyncadd.s32 $0xFFFFEC78  }
0xd5: {  	_ =	swait.ge [sflag:s26], $0x1388  }
0xd6: {  	[sflag:s26] =	ssyncset.done $0x0  }
0xd7: {  	s5 =	sadd.s32 $0x2980, s0;
	[sflag:s26] =	ssyncadd.s32 $0xFFFFEC78  }
0xd8: {  	[spmem:s3] =	stream.indirect.scatter.add.f32 [tilespmem:s18], [sflag:$0x9], $0x28, s5, s14, $0xb8;
	[tilespmem:$0x15040] =	vst v63  }
0xd9: {  	_ =	swait.ge [sflag:s12], $0x1388  }
0xda: {  	[sflag:s12] =	ssyncset.done $0x0  }
0xdb: {  	[sflag:s12] =	ssyncadd.s32 $0xFFFFEC78  }
0xdc: {  	_ =	swait.ge [sflag:s28], $0x1388  }
0xdd: {  	[sflag:s28] =	ssyncset.done $0x0  }
0xde: {  	s13 =	sadd.s32 $0x2A00, s0;
	[sflag:s28] =	ssyncadd.s32 $0xFFFFEC78  }
0xdf: {  	[spmem:s3] =	stream.indirect.scatter.add.f32 [tilespmem:s19], [sflag:$0x9], $0x28, s13, s14, $0xb8;
	[tilespmem:$0x15040] =	vst v63  }
0xe0: {  	_ =	swait.ge [sflag:s12], $0x1388  }
0xe1: {  	[sflag:s12] =	ssyncset.done $0x0  }
0xe2: {  	[sflag:s12] =	ssyncadd.s32 $0xFFFFEC78  }
0xe3: {  	_ =	swait.ge [sflag:s29], $0x1388  }
0xe4: {  	[sflag:s29] =	ssyncset.done $0x0  }
0xe5: {  	s5 =	sadd.s32 $0x2A80, s0;
	[sflag:s29] =	ssyncadd.s32 $0xFFFFEC78  }
0xe6: {  	[spmem:s3] =	stream.indirect.scatter.add.f32 [tilespmem:s20], [sflag:$0x9], $0x28, s5, s14, $0xb8;
	[tilespmem:$0x15040] =	vst v63  }
0xe7: {  	_ =	swait.ge [sflag:s12], $0x1388  }
0xe8: {  	[sflag:s12] =	ssyncset.done $0x0  }
0xe9: {  	[sflag:s12] =	ssyncadd.s32 $0xFFFFEC78  }
0xea: {  	_ =	swait.ge [sflag:s30], $0x1388  }
0xeb: {  	[sflag:s30] =	ssyncset.done $0x0  }
0xec: {  	s13 =	sadd.s32 $0x2B00, s0;
	[sflag:s30] =	ssyncadd.s32 $0xFFFFEC78  }
0xed: {  	[spmem:s3] =	stream.indirect.scatter.add.f32 [tilespmem:s21], [sflag:$0x9], $0x28, s13, s14, $0xb8;
	[tilespmem:$0x15040] =	vst v63  }
0xee: {  	_ =	swait.ge [sflag:s12], $0x1388  }
0xef: {  	[sflag:s12] =	ssyncset.done $0x0  }
0xf0: {  	[sflag:s12] =	ssyncadd.s32 $0xFFFFEC78  }
0xf1: {  	_ =	swait.ge [sflag:s31], $0x1388  }
0xf2: {  	[sflag:s31] =	ssyncset.done $0x0  }
0xf3: {  	s0 =	sadd.s32 $0x2B80, s0;
	[sflag:s31] =	ssyncadd.s32 $0xFFFFEC78  }
0xf4: {  	[spmem:s3] =	stream.indirect.scatter.add.f32 [tilespmem:s22], [sflag:$0x9], $0x28, s0, s14, $0xb8;
	[tilespmem:$0x15040] =	vst v63  }
0xf5: {  	_ =	swait.ge [sflag:s12], $0x1388  }
0xf6: {  	s1 =	sadd.s32 $0x1, s1;
	[sflag:s12] =	ssyncset.done $0x0  }
0xf7: {  	p0 =	sne.s32 s1, s10;
	[sflag:s12] =	ssyncadd.s32 $0xFFFFEC78  }
.Ltmp1:
0xf8: {  	[bflag:$0x0] =	sbarrier.arrive $0xFFFF;
	(pc) =	sbr.rel @p0 .LBB2_1-.Ltmp1, $4  }
0xf9: {  	[hbm:s9], [sflag:s6] =	dma.local [spmem:s11], $0xC80  }
0xfa: {  	_ =	swait.ge [sflag:s12], $0xC80  }
0xfb: {  	[sflag:s12] =	ssyncset.done $0x0  }
0xfc: {  	[sflag:s12] =	ssyncadd.s32 $0xFFFFF380  }
0xfd: {  	_ =	sfence.sel $0x180000  }
0xfe: {  	[bflag:$0x0] =	sbarrier.arrive $0xFFFF  }
0xff: {  	_ =	strace $0x90000047  }
0x100: {  	s0 =	stileid.u32;
	[bflag:$0x2] =	sbarrier.arrive $0xFFFF  }
0x101: {  	p0 =	sne.s32 s0, $0x0;
	s0 =	rddreg [dreg:$0x3]  }
0x102: {  	s0 =	sadd.s32 @!p0 $0x100000, s0  }
0x103: {  	[sflag:s0] =	ssyncadd.tile.s32 @!p0 $0x1;
	_ =	shalt  }
.Lfunc_end2:
_tile_overlayer_lowered:
.L_overlay_start_2:
0x104: {  	(tag) =	ssettag $0x2  }
0x105: {  	s0 =	rddreg [dreg:$0x0];
	s2 =	stileid.u32  }
0x106: {  	s1 =	rddreg [dreg:$0x1];
	p0 =	sne.s32 s2, $0x0  }
0x107: {  	s3 =	rddreg [dreg:$0x2];
	[bflag:$0x3] =	sbarrier.arrive $0xFFFF;
	s2 =	simm.s32 @!p0 $0x1C09  }
0x108: {  	[timem:s3], [sflag:s2] =	dma.local @!p0 [hbm:s0], s1  }
0x109: {  	s0 =	simm.s32 @!p0 $0x9  }
0x10a: {  	_ =	swait.ge @!p0 [sflag:s0], s1  }
0x10b: {  	s1 =	ssub.s32 @!p0 $0x0, s1;
	[sflag:s0] =	ssyncset.done @!p0 $0x0  }
0x10c: {  	[sflag:s0] =	ssyncadd.s32 @!p0 s1  }
0x10d: {  	[bflag:$0x3] =	sbarrier.arrive $0xFFFF  }
0x10e: {  	_ =	shalt  }

// kernel: kernel.9.cloned.1.call-start
scs
__scs_entry_jumppad:
0x0: {  	(pc) =	sbr.rel $0x88, $3  }
0x1: {  	(tag) =	ssettag $0x0;
	lr =	simm.s32 $0x1  }
0x2: {  	[smem:$0x3F99] =	sst lr;
	_ =	strace $0xD0000000  }
0x3: {  	_ = 	snop  }
0x4: {  	_ = 	snop  }
0x5: {  	_ = 	snop  }
0x6: {  	_ = 	snop  }
0x7: {  	_ = 	snop  }
__scs_overlays_trampoline_lowered:
0x8: {  	[smem:$0x3FA8] =	sst s0  }
0x9: {  	[smem:$0x3FA9] =	sst s1  }
0xa: {  	[smem:$0x3FAA] =	sst s2  }
0xb: {  	[smem:$0x3FAB] =	sst s3  }
0xc: {  	[smem:$0x3FAC] =	sst s4  }
0xd: {  	[smem:$0x3FAD] =	sst s5  }
0xe: {  	[smem:$0x3FAE] =	sst s6  }
0xf: {  	[smem:$0x3FAF] =	sst s7  }
0x10: {  	[smem:$0x3FB0] =	sst s8  }
0x11: {  	[smem:$0x3FB1] =	sst s9;
	s0 =	simm.s32 @!p0 $0x0  }
0x12: {  	s1 =	sld [smem:$0x3F97];
	s0 =	simm.s32 @p0 $0x1  }
0x13: {  	[smem:$0x3FB2] =	sst s0;
	s0 =	simm.s32 @!p1 $0x0  }
0x14: {  	s2 =	sld [smem:$0x3F96];
	s0 =	simm.s32 @p1 $0x1  }
0x15: {  	[smem:$0x3FB3] =	sst s0;
	s0 =	simm.s32 @!p2 $0x0  }
0x16: {  	s3 =	sld [smem:$0x3FDB];
	s0 =	simm.s32 @p2 $0x1  }
0x17: {  	s4 =	simm.s32 $0x1BF5;
	[smem:$0x3FB5] =	sst s0  }
0x18: {  	s0 =	sld [smem:$0x3F98];
	_ =	swait.ge [sflag:s4], $0x0  }
0x19: {  	s7 =	sld [smem:$0x3F99]  }
0x1a: {  	s8 =	sadd.s32 $0xFFFFE003, lr  }
0x1b: {  	s9 =	sadd.s32 $0xFFFFFEF7, lr;
	s5 =	simm.s32 $0xFFFFFFFF;
	p2 =	slt.u32 s8, $0xFFFFF086  }
0x1c: {  	p1 =	slt.u32 s9, $0xF7A;
	s5 =	simm.s32 @!p2 $0x0  }
0x1d: {  	s5 =	simm.s32 @p1 $0x1;
	p0 =	seq.s32 s7, s2  }
0x1e: {  	s7 =	smul.u32 @!p0 $0xF7A, s2;
	p2 =	seq.s32 @!p0 s5, $0x0  }
0x1f: {  	s9 =	smul.u32 $0xF7A, s1;
	s8 =	simm.s32 @!p0 $0x1BF5;
	p2 =	por !p2, p0  }
0x20: {  	[sflag:s8] =	ssyncset.s32 @!p0 $0xFFFFF086;
	s6 =	sadd.s32 @!p0 s3, s7;
	s7 =	simm.s32 @!p0 $0x108  }
0x21: {  	s3 =	sadd.s32 s3, s9;
	s6 =	sadd.s32 @!p0 $0x88, s6;
	s7 =	simm.s32 @p2 $0x1082  }
0x22: {  	[simem:s7], [sflag:s8] =	dma.local @!p0 [hbm:s6], $0xF7A  }
0x23: {  	s9 =	sor.u32 $0xD0000000, s2;
	s6 =	simm.s32 $0x108;
	_ =	swait.ge @!p0 [sflag:s8], $0x0  }
0x24: {  	s3 =	sadd.s32 $0x88, s3;
	s6 =	simm.s32 @!p1 $0x1082;
	[sflag:s4] =	ssyncset.s32 $0xFFFFF086  }
0x25: {  	[simem:s6], [sflag:s4] =	dma.local [hbm:s3], $0xF7A  }
0x26: {  	[smem:$0x3F99] =	sst s1;
	(tag) =	ssettag s2;
	_ =	strace s9  }
0x27: {  	s1 =	sld [smem:$0x3FA9]  }
0x28: {  	s2 =	sld [smem:$0x3FAA]  }
0x29: {  	s4 =	sld [smem:$0x3FAC]  }
0x2a: {  	p0 =	seq.s32 s5, $0x0;
	s5 =	sld [smem:$0x3FAD]  }
0x2b: {  	s6 =	sld [smem:$0x3FAE]  }
0x2c: {  	s7 =	sld [smem:$0x3FAF]  }
0x2d: {  	s3 =	simm.s32 $0x108;
	s8 =	sld [smem:$0x3FB0]  }
0x2e: {  	s3 =	simm.s32 @!p0 $0x1082;
	s9 =	sld [smem:$0x3FB1]  }
0x2f: {  	lr =	sadd.s32 s0, s3;
	s0 =	sld [smem:$0x3FA8]  }
0x30: {  	s3 =	sld [smem:$0x3FAB]  }
0x31: {  	[smem:$0x3FB4] =	sst s10  }
0x32: {  	s10 =	sld [smem:$0x3FB2];
	_ =	sdelay $0x3  }
0x33: {  	p0 =	seq.s32 s10, $0x1;
	s10 =	sld [smem:$0x3FB4];
	_ =	sdelay $0x3  }
0x34: {  	[smem:$0x3FB4] =	sst s10  }
0x35: {  	s10 =	sld [smem:$0x3FB3];
	_ =	sdelay $0x3  }
0x36: {  	p1 =	seq.s32 s10, $0x1;
	s10 =	sld [smem:$0x3FB4];
	_ =	sdelay $0x3  }
0x37: {  	[smem:$0x3FB4] =	sst s10  }
0x38: {  	s10 =	sld [smem:$0x3FB5]  }
0x39: {  	_ = 	snop;
	(pc) =	sbr.ind lr, $3  }
0x3a: {  	_ = 	snop  }
0x3b: {  	_ = 	snop  }
0x3c: {  	p2 =	seq.s32 s10, $0x1;
	s10 =	sld [smem:$0x3FB4]  }
0x3d: {  	_ =	shalt  }
0x3e: {  	_ =	shalt  }
0x3f: {  	_ =	shalt  }
0x40: {  	_ =	shalt  }
0x41: {  	_ =	shalt  }
0x42: {  	_ =	shalt  }
0x43: {  	_ =	shalt  }
0x44: {  	_ =	shalt  }
0x45: {  	_ =	shalt  }
0x46: {  	_ =	shalt  }
0x47: {  	_ =	shalt  }
0x48: {  	_ =	shalt  }
0x49: {  	_ =	shalt  }
0x4a: {  	_ =	shalt  }
0x4b: {  	_ =	shalt  }
0x4c: {  	_ =	shalt  }
0x4d: {  	_ =	shalt  }
0x4e: {  	_ =	shalt  }
0x4f: {  	_ =	shalt  }
0x50: {  	_ =	shalt  }
0x51: {  	_ =	shalt  }
0x52: {  	_ =	shalt  }
0x53: {  	_ =	shalt  }
0x54: {  	_ =	shalt  }
0x55: {  	_ =	shalt  }
0x56: {  	_ =	shalt  }
0x57: {  	_ =	shalt  }
0x58: {  	_ =	shalt  }
0x59: {  	_ =	shalt  }
0x5a: {  	_ =	shalt  }
0x5b: {  	_ =	shalt  }
0x5c: {  	_ =	shalt  }
0x5d: {  	_ =	shalt  }
0x5e: {  	_ =	shalt  }
0x5f: {  	_ =	shalt  }
0x60: {  	_ =	shalt  }
0x61: {  	_ =	shalt  }
0x62: {  	_ =	shalt  }
0x63: {  	_ =	shalt  }
0x64: {  	_ =	shalt  }
0x65: {  	_ =	shalt  }
0x66: {  	_ =	shalt  }
0x67: {  	_ =	shalt  }
0x68: {  	_ =	shalt  }
0x69: {  	_ =	shalt  }
0x6a: {  	_ =	shalt  }
0x6b: {  	_ =	shalt  }
0x6c: {  	_ =	shalt  }
0x6d: {  	_ =	shalt  }
0x6e: {  	_ =	shalt  }
0x6f: {  	_ =	shalt  }
0x70: {  	_ =	shalt  }
0x71: {  	_ =	shalt  }
0x72: {  	_ =	shalt  }
0x73: {  	_ =	shalt  }
0x74: {  	_ =	shalt  }
0x75: {  	_ =	shalt  }
0x76: {  	_ =	shalt  }
0x77: {  	_ =	shalt  }
0x78: {  	_ =	shalt  }
0x79: {  	_ =	shalt  }
0x7a: {  	_ =	shalt  }
0x7b: {  	_ =	shalt  }
0x7c: {  	_ =	shalt  }
0x7d: {  	_ =	shalt  }
0x7e: {  	_ =	shalt  }
0x7f: {  	_ =	shalt  }
0x80: {  	_ =	shalt  }
0x81: {  	_ =	shalt  }
0x82: {  	_ =	shalt  }
0x83: {  	_ =	shalt  }
0x84: {  	_ =	shalt  }
0x85: {  	_ =	shalt  }
0x86: {  	_ =	shalt  }
0x87: {  	_ =	shalt  }
.Lfunc_end0:
.L_simem_size_0:
called_computation.1_lowered:
.L_overlay_start_0:
0x88: {  	s2 =	sld [smem:$0x3FD9]  }
0x89: {  	s3 =	sld [smem:$0x3FFE];
	_ =	sdelay $0x1  }
0x8a: {  	s1 =	srdreg.scid  }
0x8b: {  	s0 =	sand.u32 $0x1, s1  }
0x8c: {  	s17 =	sshll.u32 s0, $0xA;
	s2 =	sadd.s32 s3, s2  }
0x8d: {  	s2 =	sadd.s32 s2, s17  }
0x8e: {  	[smem:$0x3FC0] =	sst s2  }
0x8f: {  	_ = 	snop  }
0x90: {  	s2 =	sld [smem:$0x3FC6]  }
0x91: {  	s18 =	sld [smem:$0x3FD0];
	(tm) =	ssettm $0x1  }
0x92: {  	s4 =	sld [smem:$0x3FFB];
	_ =	sdelay $0x3  }
0x93: {  	_ =	strace s4  }
0x94: {  	s4 =	sld [smem:$0x3FFC];
	_ =	sdelay $0x3  }
0x95: {  	_ =	strace s4  }
0x96: {  	s4 =	sld [smem:$0x3FFD];
	_ =	sdelay $0x3  }
0x97: {  	_ =	strace s4  }
0x98: {  	_ =	strace $0x8FFFFFFF  }
0x99: {  	s19 =	sld [smem:$0x3FDB];
	_ =	sdelay $0x1  }
0x9a: {  	s5 =	simm.s32 $_scs_section_size  }
0x9b: {  	s6 =	simm.s32 $_size__tile_overlayer_lowered;
	s7 =	simm.s32 $_tile_overlayer_lowered  }
0x9c: {  	s22 =	simm.s32 $0x1BFF;
	s21 =	sshll.u32 s7, $0x1;
	s4 =	sadd.s32 s5, s19  }
0x9d: {  	s8 =	simm.s32 $0x0;
	s20 =	sshll.u32 s6, $0x1;
	s6 =	sadd.s32 s21, s4  }
0x9e: {  	[timem:s8], [sflag:s22] =	dma.local [hbm:s6], s20  }
0x9f: {  	_ =	swait.ge [sflag:s22], s20  }
0xa0: {  	s5 =	ssub.s32 $0x0, s20;
	[sflag:s22] =	ssyncset.done $0x0  }
0xa1: {  	[sflag:s22] =	ssyncadd.s32 s5;
	_ =	sdelay $0x1  }
0xa2: {  	s23 =	simm.s32 $0x1B8B  }
0xa3: {  	_ =	swait.ge [sflag:s23], $0x1  }
0xa4: {  	[sflag:s23] =	ssyncset.done $0x0  }
0xa5: {  	s25 =	simm.s32 $0x1B8E;
	s24 =	sld [smem:$0x3FFE];
	[sflag:s23] =	ssyncadd.s32 $0xFFFFFFFF  }
0xa6: {  	s26 =	simm.s32 $execute0_lowered;
	[smem:$0x3FD2] =	sst s25  }
0xa7: {  	s6 =	sshll.u32 s26, $0x1;
	_ =	strace $0x80000049;
	[dreg:$0x1] =	wrdreg $0xFFFFFFFF  }
0xa8: {  	s28 =	simm.s32 $_size_execute0_lowered;
	s4 =	sadd.s32 s4, s6;
	[dreg:$0x0] =	wrdreg $0x0  }
0xa9: {  	s6 =	sshll.u32 s28, $0x1;
	[dreg:$0x2] =	wrdreg s4  }
0xaa: {  	[dreg:$0x3] =	wrdreg s6  }
0xab: {  	[dreg:$0x4] =	wrdreg $0xC0  }
0xac: {  	_ =	task [dreg:s8], $0x5FFFF  }
0xad: {  	[dreg:$0x1] =	wrdreg $0xFFFFFFFF  }
0xae: {  	[dreg:$0x0] =	wrdreg $0x60  }
0xaf: {  	[dreg:$0x2] =	wrdreg s24  }
0xb0: {  	[dreg:$0x3] =	wrdreg s2  }
0xb1: {  	[dreg:$0x4] =	wrdreg s18  }
0xb2: {  	[dreg:$0x5] =	wrdreg $0x8E800  }
0xb3: {  	[dreg:$0x6] =	wrdreg $0x9  }
0xb4: {  	_ =	task.clear_ibuf [dreg:s8], $0x7FFFF;
	_ =	strace $0x90000049  }
0xb5: {  	s29 =	simm.s32 $0x9;
	_ =	strace $0x8000004B  }
0xb6: {  	_ =	swait.ge [sflag:s29], $0x1  }
0xb7: {  	[sflag:s29] =	ssyncadd.s32 $0xFFFFFFFF  }
0xb8: {  	_ =	strace $0x9000004B  }
0xb9: {  	_ =	sfence  }
0xba: {  	s30 =	sld [smem:$0x0];
	_ =	sdelay $0x2  }
0xbb: {  	s31 =	sshll.u32 s1, $0xD;
	s1 =	sshrl.u32 s1, $0x2  }
0xbc: {  	s3 =	sand.u32 $0x4000, s31;
	s1 =	sadd.s32 s1, s30  }
0xbd: {  	s0 =	sor.u32 s3, s0;
	s1 =	sshll.u32 s1, $0x11  }
0xbe: {  	s0 =	sor.u32 s1, s0  }
0xbf: {  	s0 =	sadd.s32 $0x8F2B, s0  }
0xc0: {  	[sflag:s0] =	ssyncadd.remote.s32 $0x1  }
0xc1: {  	_ =	sfence.sel $0xFFFF  }
0xc2: {  	[dreg:$0x0] =	wrdreg $0xFFFFFFFF;
	(pc) =	sbr.abs _section_cstart, $3  }
0xc3: {  	[dreg:$0x1] =	wrdreg $0xFFFFFFFF  }
0xc4: {  	_ =	task.clear_ibuf [dreg:s8], $0x2FFFF;
	_ =	strace $0x9FFFFFFF  }
0xc5: {  	(tm) =	ssettm $0x7FFFFFFF  }
tec
execute0_lowered:
.L_overlay_start_1:
0x0: {  	(tag) =	ssettag $0x1  }
0x1: {  	s0 =	rddreg [dreg:$0x0]  }
0x2: {  	s1 =	rddreg [dreg:$0x2]  }
0x3: {  	s2 =	srdreg.scid;
	s3 =	rddreg [dreg:$0x3]  }
0x4: {  	s13 =	stileid.u32;
	s4 =	simm.s32 $0x0;
	s28 =	simm.s32 $0x4  }
0x5: {  	s29 =	simm.s32 $0x1F680;
	s30 =	simm.s32 $0x7D;
	s31 =	simm.s32 $0x5000  }
0x6: {  	s18 =	simm.s32 $0x0;
	s2 =	sand.u32 $0x1, s2;
	s5 =	smul.u32 $0x6400, s13  }
0x7: {  	s7 =	smul.u32 $0x5000, s13;
	[smem:$0x7FF] =	sst s4;
	s6 =	sshll.u32 s2, $0x4  }
0x8: {  	s9 =	smul.u32 $0x50000, s2;
	_ =	strace $0x8000004A;
	s2 =	ssub.s32 $0x2, s2  }
0x9: {  	s6 =	sor.u32 s13, s6;
	s5 =	sshrl.u32 s5, $0x3;
	s8 =	sshrl.u32 s7, $0x3  }
0xa: {  	s12 =	sshrl.u32 s2, $0x1;
	s22 =	sadd.s32 s7, s3;
	s6 =	smul.u32 $0x2800, s6  }
0xb: {  	s10 =	sadd.s32 s5, s0;
	s11 =	sadd.s32 s8, s0;
	s20 =	sadd.s32 s7, s9  }
0xc: {  	s5 =	sadd.s32 $0x15A00, s0;
	s2 =	ssub.s32 s2, s12;
	s1 =	sadd.s32 s1, s8  }
0xd: {  	s7 =	sshll.u32 s13, $0x6;
	s17 =	sshrl.u32 s22, $0x3;
	[dreg:$0x5] =	wrdreg s1  }
0xe: {  	s23 =	sor.u32 $0x1C01, s7;
	s26 =	sadd.s32 $0x22200, s10;
	s12 =	sadd.s32 $0x2EA00, s10  }
0xf: {  	s13 =	sadd.s32 $0x3B200, s11;
	s14 =	sadd.s32 s5, s8;
	s16 =	smax.u32 s2, $0x1  }
0x10: {  	s11 =	simm.s32 $0x1A680;
	s1 =	simm.s32 $0x6F40;
	s2 =	simm.s32 $0x7EE0  }
0x11: {  	s19 =	sshrl.u32 s6, $0x3;
	s6 =	sshrl.u32 s20, $0x3;
	[dreg:$0x6] =	wrdreg s23  }
0x12: {  	[dreg:$0x9] =	wrdreg s26;
	s20 =	simm.s32 $0x14280;
	s26 =	simm.s32 $0x3  }
0x13: {  	v0 =	vlaneseq.u32;
	s21 =	sadd.s32 s19, s0;
	s0 =	sadd.s32 s6, s0;
	s19 =	simm.s32 $0xDE80  }
0x14: {  	v0 =	vmul.u32 $0x28, v0;
	s24 =	sadd.s32 $0x1A00, s21;
	s25 =	sadd.s32 $0xBA00, s21;
	s15 =	sadd.s32 $0x45200, s0  }
0x15: {  	s21 =	simm.s32 $0x5;
	s0 =	simm.s32 $0x5FA0;
	[dreg:$0x7] =	wrdreg s24  }
0x16: {  	v0 =	vadd.s32 $0x20, v0;
	[dreg:$0x8] =	wrdreg s25;
	s24 =	simm.s32 $0x1;
	s25 =	simm.s32 $0x2  }
.LBB2_1:
0x17: {  	s6 =	rddreg [dreg:$0x5]  }
0x18: {  	s8 =	rddreg [dreg:$0x6]  }
0x19: {  	[spmem:s17], [sflag:s8] =	dma.local [hbm:s6], $0xA00  }
0x1a: {  	s6 =	rddreg [dreg:$0x7]  }
0x1b: {  	[tilespmem:s4], [sflag:$0x2] =	stream.linear.gather [hbm4b:s6+s4], $0x2800, $0x38;
	[tilespmem:$0x1F920] =	vst v63  }
0x1c: {  	s23 =	simm.s32 $0x2800;
	s22 =	rddreg [dreg:$0x8]  }
0x1d: {  	[tilespmem:s23], [sflag:$0x3] =	stream.linear.gather [hbm4b:s22+s4], $0x2800, $0x38;
	[tilespmem:$0x1F920] =	vst v63  }
0x1e: {  	s9 =	rddreg [dreg:$0x9]  }
0x1f: {  	[tilespmem:s19], [sflag:$0x4] =	stream.linear.gather [hbm4b:s9+s4], $0x6400, $0x38;
	[tilespmem:$0x1F920] =	vst v63  }
0x20: {  	_ = 	snop  }
0x21: {  	[tilespmem:s20], [sflag:$0x5] =	stream.linear.gather [hbm4b:s12+s4], $0x6400, $0x38;
	[tilespmem:$0x1F920] =	vst v63  }
0x22: {  	_ =	swait.ge [sflag:s21], $0x6400  }
0x23: {  	[sflag:s21] =	ssyncset.done $0x0  }
0x24: {  	[sflag:s21] =	ssyncadd.s32 $0xFFFF9C00  }
0x25: {  	[tilespmem:s11], [sflag:$0x5] =	stream.linear.gather [hbm4b:s13+s4], $0x5000, $0x38;
	[tilespmem:$0x1F920] =	vst v63  }
0x26: {  	_ =	swait.ge [sflag:s21], $0x5000  }
0x27: {  	[sflag:s21] =	ssyncset.done $0x0  }
0x28: {  	[sflag:s21] =	ssyncadd.s32 $0xFFFFB000  }
0x29: {  	s11 =	simm.s32 $0x1F900;
	s10 =	rddreg [dreg:$0x1]  }
0x2a: {  	[tilespmem:s11], [sflag:$0x5] =	stream.linear.gather [hbm4b:s10+s4], $0x20, $0x38;
	[tilespmem:$0x1F920] =	vst v63  }
0x2b: {  	_ =	swait.ge [sflag:s21], $0x20  }
0x2c: {  	[sflag:s21] =	ssyncset.done $0x0  }
0x2d: {  	[sflag:s21] =	ssyncadd.s32 $0xFFFFFFE0  }
0x2e: {  	_ =	swait.ge [sflag:s24], $0xA00  }
0x2f: {  	[sflag:s24] =	ssyncset.done $0x0  }
0x30: {  	v1 =	vmov s4;
	[sflag:s24] =	ssyncadd.s32 $0xFFFFF600  }
0x31: {  	v1 =	vmul.u32 $0x28, v1;
	_ =	swait.ge [sflag:s25], $0x2800  }
0x32: {  	[sflag:s25] =	ssyncset.done $0x0  }
0x33: {  	v1 =	vbroadcast v1, $0x0;
	[sflag:s25] =	ssyncadd.s32 $0xFFFFD800  }
0x34: {  	_ =	swait.ge [sflag:s26], $0x2800  }
0x35: {  	v1 =	vadd.s32 v0, v1;
	[sflag:s26] =	ssyncset.done $0x0  }
0x36: {  	[sflag:s26] =	ssyncadd.s32 $0xFFFFD800  }
0x37: {  	_ =	swait.ge [sflag:s28], $0x6400  }
0x38: {  	[sflag:s28] =	ssyncset.done $0x0  }
0x39: {  	[sflag:s28] =	ssyncadd.s32 $0xFFFF9C00  }
0x3a: {  	v2 =	vld.idx.msk [tilespmem:v1+s20+$0x0], $0xffff  }
0x3b: {  	v1 =	vld.idx.msk [tilespmem:v1+s19+$0x0], $0xffff;
	_ =	sdelay $0x4  }
0x3c: {  	v1 =	vadd.f32 v2, v1;
	_ =	sdelay $0x1  }
0x3d: {  	v1 =	vmax.f32 v1, $1.000000000e+00  }
0x3e: {  	s22 =	simm.s32 $0x10;
	(erf) = vrcp.f32 v1  }
0x3f: {  	v1 =	vmov s22  }
0x40: {  	v1 =	vmul.u32 $0x28, v1;
	_ =	sdelay $0x1  }
0x41: {  	v1 =	vbroadcast v1, $0x0;
	_ =	sdelay $0x1  }
0x42: {  	v1 =	vadd.s32 v0, v1;
	_ =	sdelay $0x2  }
0x43: {  	v2 =	vpop (erf)  }
0x44: {  	[tilespmem:s29+$0x0] =	vst v2  }
0x45: {  	v2 =	vld.idx.msk [tilespmem:v1+s20+$0x0], $0xffff  }
0x46: {  	v1 =	vld.idx.msk [tilespmem:v1+s19+$0x0], $0xffff;
	_ =	sdelay $0x4  }
0x47: {  	v1 =	vadd.f32 v2, v1;
	_ =	sdelay $0x1  }
0x48: {  	v1 =	vmax.f32 v1, $1.000000000e+00  }
0x49: {  	s23 =	simm.s32 $0x20;
	(erf) = vrcp.f32 v1  }
0x4a: {  	v2 =	vmov s23  }
0x4b: {  	s8 =	simm.s32 $0x30;
	s6 =	simm.s32 $0x1F680;
	v1 =	vmul.u32 $0x28, v2  }
.LBB2_2:
0x4c: {  	p0 =	sne.s32 s8, $0x270  }
0x4d: {  	v1 =	vbroadcast v1, $0x0;
	_ =	sdelay $0x1  }
0x4e: {  	v1 =	vadd.s32 v0, v1;
	_ =	sdelay $0x2  }
0x4f: {  	s6 =	sadd.s32 $0x10, s6;
	v2 =	vpop (erf)  }
0x50: {  	[tilespmem:s6+$0x0] =	vst v2  }
0x51: {  	v2 =	vld.idx.msk [tilespmem:v1+s20+$0x0], $0xffff  }
0x52: {  	v1 =	vld.idx.msk [tilespmem:v1+s19+$0x0], $0xffff;
	_ =	sdelay $0x5  }
0x53: {  	v1 =	vadd.f32 v2, v1  }
.Ltmp0:
0x54: {  	(pc) =	sbr.rel @p0 .LBB2_2-.Ltmp0, $4  }
0x55: {  	v1 =	vmax.f32 v1, $1.000000000e+00  }
0x56: {  	(erf) = vrcp.f32 v1  }
0x57: {  	v1 =	vmov s8  }
0x58: {  	s8 =	sadd.s32 $0x10, s8;
	v1 =	vmul.u32 $0x28, v1  }
0x59: {  	_ = 	snop  }
0x5a: {  	v1 =	vbroadcast v1, $0x0;
	_ =	sdelay $0x1  }
0x5b: {  	v1 =	vadd.s32 v0, v1;
	_ =	sdelay $0x2  }
0x5c: {  	s6 =	sadd.s32 $0x10, s6;
	v2 =	vpop (erf)  }
0x5d: {  	[tilespmem:s6+$0x0] =	vst v2  }
0x5e: {  	v2 =	vld.idx.msk [tilespmem:v1+s20+$0x0], $0xffff  }
0x5f: {  	v1 =	vld.idx.msk [tilespmem:v1+s19+$0x0], $0xffff;
	_ =	sdelay $0x4  }
0x60: {  	v1 =	vadd.f32 v2, v1;
	_ =	sdelay $0x1  }
0x61: {  	v1 =	vmax.f32 v1, $1.000000000e+00  }
0x62: {  	(erf) = vrcp.f32 v1;
	_ =	sdelay $0x4  }
0x63: {  	s8 =	simm.s32 $0x0  }
0x64: {  	v1 =	vmov s8  }
0x65: {  	v1 =	vand.u32 $0xFFFFFFFC, v1  }
0x66: {  	v1 =	vbroadcast v1, $0x0  }
0x67: {  	s6 =	sadd.s32 $0x10, s6;
	v2 =	vpop (erf)  }
0x68: {  	s23 =	simm.s32 $0xDED0;
	[tilespmem:s6+$0x0] =	vst v2  }
0x69: {  	s6 =	simm.s32 $0x142D0;
	v2 =	vld [tilespmem:s23+$0xFFFFFFB0]  }
0x6a: {  	v3 =	vld [tilespmem:s6+$0xFFFFFFB0];
	_ =	sdelay $0x1  }
0x6b: {  	v1 =	vld.idx.msk [tilespmem:v1+s29+$0x0], $0xffff;
	_ =	sdelay $0x1  }
0x6c: {  	v4 =	vld [tilespmem:$0x1F900]  }
0x6d: {  	s8 =	simm.s32 $0x1A6C0;
	v2 =	vadd.f32 v3, v2  }
0x6e: {  	v3 =	vld [tilespmem:s8+$0xFFFFFFC0]  }
0x6f: {  	v2 =	vmul.f32 v2, v1;
	_ =	sdelay $0x1  }
0x70: {  	v2 =	vadd.f32 v2, v4;
	_ =	sdelay $0x1  }
0x71: {  	v2 =	vadd.f32 v2, v3;
	_ =	sdelay $0x1  }
0x72: {  	v2 =	vmax.f32 v2, $0.0e+00  }
0x73: {  	[tilespmem:s8+$0xFFFFFFC0] =	vst v2  }
0x74: {  	v2 =	vld [tilespmem:s23+$0xFFFFFFC0]  }
0x75: {  	v3 =	vld [tilespmem:s6+$0xFFFFFFC0];
	_ =	sdelay $0x3  }
0x76: {  	v4 =	vld [tilespmem:$0x1F910]  }
0x77: {  	v2 =	vadd.f32 v3, v2  }
0x78: {  	v3 =	vld [tilespmem:s8+$0xFFFFFFD0]  }
0x79: {  	v1 =	vmul.f32 v2, v1;
	_ =	sdelay $0x1  }
0x7a: {  	s9 =	simm.s32 $0x1;
	v1 =	vadd.f32 v1, v4  }
0x7b: {  	v2 =	vmov s9  }
0x7c: {  	v2 =	vand.u32 $0xFFFFFFFD, v2;
	v1 =	vadd.f32 v1, v3  }
0x7d: {  	v2 =	vbroadcast v2, $0x0  }
0x7e: {  	v1 =	vmax.f32 v1, $0.0e+00  }
0x7f: {  	[tilespmem:s8+$0xFFFFFFD0] =	vst v1  }
0x80: {  	v1 =	vld [tilespmem:s23+$0xFFFFFFD8]  }
0x81: {  	v3 =	vld [tilespmem:s6+$0xFFFFFFD8];
	_ =	sdelay $0x1  }
0x82: {  	v2 =	vld.idx.msk [tilespmem:v2+s29+$0x0], $0xffff;
	_ =	sdelay $0x1  }
0x83: {  	v4 =	vld [tilespmem:$0x1F900]  }
0x84: {  	v1 =	vadd.f32 v3, v1  }
0x85: {  	v3 =	vld [tilespmem:s8+$0xFFFFFFE0]  }
0x86: {  	v1 =	vmul.f32 v1, v2;
	_ =	sdelay $0x1  }
0x87: {  	v1 =	vadd.f32 v1, v4;
	_ =	sdelay $0x1  }
0x88: {  	v1 =	vadd.f32 v1, v3;
	_ =	sdelay $0x1  }
0x89: {  	v1 =	vmax.f32 v1, $0.0e+00  }
0x8a: {  	[tilespmem:s8+$0xFFFFFFE0] =	vst v1  }
0x8b: {  	v1 =	vld [tilespmem:s23+$0xFFFFFFE8]  }
0x8c: {  	v3 =	vld [tilespmem:s6+$0xFFFFFFE8];
	_ =	sdelay $0x3  }
0x8d: {  	v4 =	vld [tilespmem:$0x1F910]  }
0x8e: {  	v1 =	vadd.f32 v3, v1  }
0x8f: {  	v3 =	vld [tilespmem:s8+$0xFFFFFFF0]  }
0x90: {  	v1 =	vmul.f32 v1, v2;
	_ =	sdelay $0x1  }
0x91: {  	s11 =	simm.s32 $0x2;
	v1 =	vadd.f32 v1, v4  }
0x92: {  	v2 =	vmov s11  }
0x93: {  	v2 =	vand.u32 $0xFFFFFFFE, v2;
	v1 =	vadd.f32 v1, v3  }
0x94: {  	v2 =	vbroadcast v2, $0x0  }
0x95: {  	v1 =	vmax.f32 v1, $0.0e+00  }
0x96: {  	[tilespmem:s8+$0xFFFFFFF0] =	vst v1  }
0x97: {  	v1 =	vld [tilespmem:s23+$0x0]  }
0x98: {  	v3 =	vld [tilespmem:s6+$0x0];
	_ =	sdelay $0x1  }
0x99: {  	v2 =	vld.idx.msk [tilespmem:v2+s29+$0x0], $0xffff;
	_ =	sdelay $0x1  }
0x9a: {  	v4 =	vld [tilespmem:$0x1F900]  }
0x9b: {  	v1 =	vadd.f32 v3, v1  }
0x9c: {  	v3 =	vld [tilespmem:s8+$0x0]  }
0x9d: {  	v1 =	vmul.f32 v1, v2;
	_ =	sdelay $0x1  }
0x9e: {  	v1 =	vadd.f32 v1, v4;
	_ =	sdelay $0x1  }
0x9f: {  	v1 =	vadd.f32 v1, v3;
	_ =	sdelay $0x1  }
0xa0: {  	v1 =	vmax.f32 v1, $0.0e+00  }
0xa1: {  	[tilespmem:s8+$0x0] =	vst v1  }
0xa2: {  	v1 =	vld [tilespmem:s23+$0x10]  }
0xa3: {  	v3 =	vld [tilespmem:s6+$0x10];
	_ =	sdelay $0x3  }
0xa4: {  	v4 =	vld [tilespmem:$0x1F910]  }
0xa5: {  	v1 =	vadd.f32 v3, v1  }
0xa6: {  	v3 =	vld [tilespmem:s8+$0x10]  }
0xa7: {  	v1 =	vmul.f32 v1, v2;
	_ =	sdelay $0x1  }
0xa8: {  	v1 =	vadd.f32 v1, v4;
	_ =	sdelay $0x1  }
0xa9: {  	v1 =	vadd.f32 v1, v3  }
0xaa: {  	s22 =	simm.s32 $0x3  }
0xab: {  	v2 =	vmov s22;
	v1 =	vmax.f32 v1, $0.0e+00  }
0xac: {  	[tilespmem:s8+$0x10] =	vst v1  }
0xad: {  	v3 =	vld [tilespmem:s23+$0x28]  }
0xae: {  	v4 =	vld [tilespmem:s6+$0x28];
	_ =	sdelay $0x1  }
0xaf: {  	v1 =	vld.idx.msk [tilespmem:v2+s29+$0x0], $0xffff;
	_ =	sdelay $0x1  }
0xb0: {  	v2 =	vld [tilespmem:$0x1F900]  }
0xb1: {  	v3 =	vadd.f32 v4, v3  }
0xb2: {  	v4 =	vld [tilespmem:s8+$0x20]  }
0xb3: {  	v3 =	vmul.f32 v3, v1;
	_ =	sdelay $0x1  }
0xb4: {  	v2 =	vadd.f32 v3, v2;
	_ =	sdelay $0x1  }
0xb5: {  	v2 =	vadd.f32 v2, v4;
	_ =	sdelay $0x1  }
0xb6: {  	v2 =	vmax.f32 v2, $0.0e+00  }
0xb7: {  	[tilespmem:s8+$0x20] =	vst v2  }
0xb8: {  	v3 =	vld [tilespmem:s23+$0x38]  }
0xb9: {  	v4 =	vld [tilespmem:s6+$0x38];
	_ =	sdelay $0x3  }
0xba: {  	v2 =	vld [tilespmem:$0x1F910]  }
0xbb: {  	s10 =	simm.s32 $0x4;
	s9 =	simm.s32 $0x1A6C0;
	v4 =	vadd.f32 v4, v3;
	v3 =	vld [tilespmem:s8+$0x30]  }
.LBB2_4:
0xbc: {  	s8 =	sadd.s32 $0x80, s8;
	s6 =	sadd.s32 $0xA0, s6;
	s23 =	sadd.s32 $0xA0, s23  }
0xbd: {  	p0 =	slt.u32 s10, $0x27C;
	s11 =	smov.u32 s10;
	s10 =	sadd.s32 $0x4, s10;
	v1 =	vmul.f32 v4, v1  }
0xbe: {  	v4 =	vmov s11  }
0xbf: {  	v4 =	vand.u32 $0xFFFFFFFC, v4;
	v1 =	vadd.f32 v1, v2  }
0xc0: {  	v2 =	vbroadcast v4, $0x0  }
0xc1: {  	v1 =	vadd.f32 v1, v3;
	_ =	sdelay $0x1  }
0xc2: {  	v1 =	vmax.f32 v1, $0.0e+00  }
0xc3: {  	[tilespmem:s9+$0x30] =	vst v1;
	s9 =	smov.u32 s8  }
0xc4: {  	v1 =	vld [tilespmem:s23+$0xFFFFFFB0]  }
0xc5: {  	v3 =	vld [tilespmem:s6+$0xFFFFFFB0]  }
0xc6: {  	v2 =	vld.idx.msk [tilespmem:v2+s29+$0x0], $0xffff;
	_ =	sdelay $0x2  }
0xc7: {  	v4 =	vld [tilespmem:$0x1F900]  }
0xc8: {  	v1 =	vadd.f32 v3, v1  }
0xc9: {  	v3 =	vld [tilespmem:s8+$0xFFFFFFC0]  }
0xca: {  	v1 =	vmul.f32 v1, v2;
	_ =	sdelay $0x1  }
0xcb: {  	v1 =	vadd.f32 v1, v4;
	_ =	sdelay $0x1  }
0xcc: {  	v1 =	vadd.f32 v1, v3;
	_ =	sdelay $0x1  }
0xcd: {  	v1 =	vmax.f32 v1, $0.0e+00  }
0xce: {  	[tilespmem:s8+$0xFFFFFFC0] =	vst v1  }
0xcf: {  	v1 =	vld [tilespmem:s23+$0xFFFFFFC0]  }
0xd0: {  	v3 =	vld [tilespmem:s6+$0xFFFFFFC0];
	_ =	sdelay $0x3  }
0xd1: {  	v4 =	vld [tilespmem:$0x1F910]  }
0xd2: {  	v1 =	vadd.f32 v3, v1  }
0xd3: {  	v3 =	vld [tilespmem:s8+$0xFFFFFFD0]  }
0xd4: {  	v1 =	vmul.f32 v1, v2  }
0xd5: {  	s22 =	sadd.s32 $0x1, s11  }
0xd6: {  	v2 =	vmov s22;
	v1 =	vadd.f32 v1, v4  }
0xd7: {  	v2 =	vand.u32 $0xFFFFFFFD, v2  }
0xd8: {  	v2 =	vbroadcast v2, $0x0;
	v1 =	vadd.f32 v1, v3;
	_ =	sdelay $0x1  }
0xd9: {  	v1 =	vmax.f32 v1, $0.0e+00  }
0xda: {  	[tilespmem:s8+$0xFFFFFFD0] =	vst v1  }
0xdb: {  	v1 =	vld [tilespmem:s23+$0xFFFFFFD8]  }
0xdc: {  	v3 =	vld [tilespmem:s6+$0xFFFFFFD8]  }
0xdd: {  	v2 =	vld.idx.msk [tilespmem:v2+s29+$0x0], $0xffff;
	_ =	sdelay $0x2  }
0xde: {  	v4 =	vld [tilespmem:$0x1F900]  }
0xdf: {  	v1 =	vadd.f32 v3, v1  }
0xe0: {  	v3 =	vld [tilespmem:s8+$0xFFFFFFE0]  }
0xe1: {  	v1 =	vmul.f32 v1, v2;
	_ =	sdelay $0x1  }
0xe2: {  	v1 =	vadd.f32 v1, v4;
	_ =	sdelay $0x1  }
0xe3: {  	v1 =	vadd.f32 v1, v3;
	_ =	sdelay $0x1  }
0xe4: {  	v1 =	vmax.f32 v1, $0.0e+00  }
0xe5: {  	[tilespmem:s8+$0xFFFFFFE0] =	vst v1  }
0xe6: {  	v1 =	vld [tilespmem:s23+$0xFFFFFFE8]  }
0xe7: {  	v3 =	vld [tilespmem:s6+$0xFFFFFFE8];
	_ =	sdelay $0x3  }
0xe8: {  	v4 =	vld [tilespmem:$0x1F910]  }
0xe9: {  	v1 =	vadd.f32 v3, v1  }
0xea: {  	v3 =	vld [tilespmem:s8+$0xFFFFFFF0]  }
0xeb: {  	v1 =	vmul.f32 v1, v2  }
0xec: {  	s22 =	sadd.s32 $0x2, s11  }
0xed: {  	v2 =	vmov s22;
	v1 =	vadd.f32 v1, v4  }
0xee: {  	v2 =	vand.u32 $0xFFFFFFFE, v2  }
0xef: {  	v2 =	vbroadcast v2, $0x0;
	v1 =	vadd.f32 v1, v3;
	_ =	sdelay $0x1  }
0xf0: {  	v1 =	vmax.f32 v1, $0.0e+00  }
0xf1: {  	[tilespmem:s8+$0xFFFFFFF0] =	vst v1  }
0xf2: {  	v1 =	vld [tilespmem:s23+$0x0]  }
0xf3: {  	v3 =	vld [tilespmem:s6+$0x0]  }
0xf4: {  	v2 =	vld.idx.msk [tilespmem:v2+s29+$0x0], $0xffff;
	_ =	sdelay $0x2  }
0xf5: {  	v4 =	vld [tilespmem:$0x1F900]  }
0xf6: {  	v1 =	vadd.f32 v3, v1  }
0xf7: {  	v3 =	vld [tilespmem:s8+$0x0]  }
0xf8: {  	v1 =	vmul.f32 v1, v2;
	_ =	sdelay $0x1  }
0xf9: {  	v1 =	vadd.f32 v1, v4;
	_ =	sdelay $0x1  }
0xfa: {  	v1 =	vadd.f32 v1, v3;
	_ =	sdelay $0x1  }
0xfb: {  	v1 =	vmax.f32 v1, $0.0e+00  }
0xfc: {  	[tilespmem:s8+$0x0] =	vst v1  }
0xfd: {  	v1 =	vld [tilespmem:s23+$0x10]  }
0xfe: {  	v3 =	vld [tilespmem:s6+$0x10]  }
0xff: {  	v4 =	vld [tilespmem:$0x1F910];
	_ =	sdelay $0x3  }
0x100: {  	v1 =	vadd.f32 v3, v1  }
0x101: {  	v3 =	vld [tilespmem:s8+$0x10]  }
0x102: {  	v1 =	vmul.f32 v1, v2;
	_ =	sdelay $0x1  }
0x103: {  	v1 =	vadd.f32 v1, v4;
	_ =	sdelay $0x1  }
0x104: {  	s11 =	sadd.s32 $0x3, s11;
	v1 =	vadd.f32 v1, v3  }
0x105: {  	v2 =	vmov s11  }
0x106: {  	v1 =	vmax.f32 v1, $0.0e+00  }
0x107: {  	[tilespmem:s8+$0x10] =	vst v1  }
0x108: {  	v3 =	vld [tilespmem:s23+$0x28]  }
0x109: {  	v4 =	vld [tilespmem:s6+$0x28]  }
0x10a: {  	v1 =	vld.idx.msk [tilespmem:v2+s29+$0x0], $0xffff  }
0x10b: {  	v2 =	vld [tilespmem:$0x1F900];
	_ =	sdelay $0x2  }
0x10c: {  	v3 =	vadd.f32 v4, v3  }
0x10d: {  	v4 =	vld [tilespmem:s8+$0x20]  }
0x10e: {  	v3 =	vmul.f32 v3, v1;
	_ =	sdelay $0x1  }
0x10f: {  	v2 =	vadd.f32 v3, v2;
	_ =	sdelay $0x1  }
0x110: {  	v2 =	vadd.f32 v2, v4;
	_ =	sdelay $0x1  }
0x111: {  	v2 =	vmax.f32 v2, $0.0e+00  }
0x112: {  	[tilespmem:s8+$0x20] =	vst v2  }
0x113: {  	v3 =	vld [tilespmem:s23+$0x38]  }
0x114: {  	v4 =	vld [tilespmem:s6+$0x38]  }
.Ltmp1:
0x115: {  	v2 =	vld [tilespmem:$0x1F910];
	(pc) =	sbr.rel @p0 .LBB2_4-.Ltmp1, $2  }
0x116: {  	_ =	sdelay $0x2  }
0x117: {  	v4 =	vadd.f32 v4, v3;
	v3 =	vld [tilespmem:s8+$0x30]  }
0x118: {  	_ = 	snop  }
0x119: {  	v1 =	vmul.f32 v4, v1;
	_ =	sdelay $0x1  }
0x11a: {  	v1 =	vadd.f32 v1, v2;
	_ =	sdelay $0x1  }
0x11b: {  	v1 =	vadd.f32 v1, v3;
	_ =	sdelay $0x1  }
0x11c: {  	v1 =	vmax.f32 v1, $0.0e+00  }
0x11d: {  	s6 =	simm.s32 $0x0;
	s11 =	simm.s32 $0x1A680;
	[tilespmem:s9+$0x30] =	vst v1  }
0x11e: {  	[hbm4b:s14+s6] =	stream.linear.scatter [tilespmem:s11], [sflag:$0x5], $0x5000, $0x38;
	[tilespmem:$0x1F920] =	vst v63  }
0x11f: {  	_ =	swait.ge [sflag:s21], $0x5000  }
0x120: {  	[sflag:s21] =	ssyncset.done $0x0  }
0x121: {  	[sflag:s21] =	ssyncadd.s32 $0xFFFFB000  }
0x122: {  	s10 =	simm.s32 $0x0;
	[bflag:$0x0] =	sbarrier.arrive $0xFFFF  }
0x123: {  	[tilespmem:s31], [sflag:$0x1] =	stream.indirect.gather [hbm4b:s5+s30], $0x20, s10, s30, $0xb8;
	[tilespmem:$0x1F920] =	vst v63  }
0x124: {  	s22 =	simm.s32 $0x80  }
0x125: {  	[tilespmem:s0], [sflag:$0x2] =	stream.indirect.gather [hbm4b:s5+s30], $0x20, s22, s30, $0xb8;
	[tilespmem:$0x1F920] =	vst v63  }
0x126: {  	s23 =	simm.s32 $0x100  }
0x127: {  	[tilespmem:s1], [sflag:$0x3] =	stream.indirect.gather [hbm4b:s5+s30], $0x20, s23, s30, $0xb8;
	[tilespmem:$0x1F920] =	vst v63  }
0x128: {  	s8 =	simm.s32 $0x180  }
0x129: {  	[tilespmem:s2], [sflag:$0x4] =	stream.indirect.gather [hbm4b:s5+s30], $0x20, s8, s30, $0xb8;
	[tilespmem:$0x1F920] =	vst v63  }
0x12a: {  	_ =	swait.ge [sflag:s24], $0xFA0  }
0x12b: {  	[sflag:s24] =	ssyncset.done $0x0  }
0x12c: {  	s9 =	simm.s32 $0x2800;
	[sflag:s24] =	ssyncadd.s32 $0xFFFFF060  }
0x12d: {  	[spmem:s3] =	stream.indirect.scatter.add.f32 [tilespmem:s31], [sflag:$0x5], $0x20, s9, s30, $0xb8;
	[tilespmem:$0x1F920] =	vst v63  }
0x12e: {  	_ =	swait.ge [sflag:s21], $0xFA0  }
0x12f: {  	[sflag:s21] =	ssyncset.done $0x0  }
0x130: {  	[sflag:s21] =	ssyncadd.s32 $0xFFFFF060  }
0x131: {  	_ =	swait.ge [sflag:s25], $0xFA0  }
0x132: {  	[sflag:s25] =	ssyncset.done $0x0  }
0x133: {  	s10 =	simm.s32 $0x2880;
	[sflag:s25] =	ssyncadd.s32 $0xFFFFF060  }
0x134: {  	[spmem:s3] =	stream.indirect.scatter.add.f32 [tilespmem:s0], [sflag:$0x5], $0x20, s10, s30, $0xb8;
	[tilespmem:$0x1F920] =	vst v63  }
0x135: {  	_ =	swait.ge [sflag:s21], $0xFA0  }
0x136: {  	[sflag:s21] =	ssyncset.done $0x0  }
0x137: {  	[sflag:s21] =	ssyncadd.s32 $0xFFFFF060  }
0x138: {  	_ =	swait.ge [sflag:s26], $0xFA0  }
0x139: {  	[sflag:s26] =	ssyncset.done $0x0  }
0x13a: {  	s22 =	simm.s32 $0x2900;
	[sflag:s26] =	ssyncadd.s32 $0xFFFFF060  }
0x13b: {  	[spmem:s3] =	stream.indirect.scatter.add.f32 [tilespmem:s1], [sflag:$0x5], $0x20, s22, s30, $0xb8;
	[tilespmem:$0x1F920] =	vst v63  }
0x13c: {  	_ =	swait.ge [sflag:s21], $0xFA0  }
0x13d: {  	[sflag:s21] =	ssyncset.done $0x0  }
0x13e: {  	[sflag:s21] =	ssyncadd.s32 $0xFFFFF060  }
0x13f: {  	_ =	swait.ge [sflag:s28], $0xFA0  }
0x140: {  	[sflag:s28] =	ssyncset.done $0x0  }
0x141: {  	s23 =	simm.s32 $0x2980;
	[sflag:s28] =	ssyncadd.s32 $0xFFFFF060  }
0x142: {  	[spmem:s3] =	stream.indirect.scatter.add.f32 [tilespmem:s2], [sflag:$0x5], $0x20, s23, s30, $0xb8;
	[tilespmem:$0x1F920] =	vst v63  }
0x143: {  	_ =	swait.ge [sflag:s21], $0xFA0  }
0x144: {  	s6 =	simm.s32 $0x800;
	s10 =	simm.s32 $0x1000;
	[sflag:s21] =	ssyncset.done $0x0  }
.LBB2_6:
0x145: {  	s9 =	sshra.s32 s6, $0x2  }
0x146: {  	[sflag:s21] =	ssyncadd.s32 $0xFFFFF060;
	s6 =	smov.u32 s10;
	s8 =	sadd.s32 $0x800, s10  }
0x147: {  	[tilespmem:s31], [sflag:$0x1] =	stream.indirect.gather [hbm4b:s5+s30], $0x20, s9, s30, $0xb8;
	[tilespmem:$0x1F920] =	vst v63  }
0x148: {  	p0 =	sne.s32 s10, $0x9800;
	s10 =	sadd.s32 $0x80, s9  }
0x149: {  	[tilespmem:s0], [sflag:$0x2] =	stream.indirect.gather [hbm4b:s5+s30], $0x20, s10, s30, $0xb8;
	[tilespmem:$0x1F920] =	vst v63  }
0x14a: {  	s10 =	sadd.s32 $0x100, s9  }
0x14b: {  	[tilespmem:s1], [sflag:$0x3] =	stream.indirect.gather [hbm4b:s5+s30], $0x20, s10, s30, $0xb8;
	[tilespmem:$0x1F920] =	vst v63  }
0x14c: {  	s10 =	sadd.s32 $0x180, s9  }
0x14d: {  	[tilespmem:s2], [sflag:$0x4] =	stream.indirect.gather [hbm4b:s5+s30], $0x20, s10, s30, $0xb8;
	[tilespmem:$0x1F920] =	vst v63  }
0x14e: {  	_ =	swait.ge [sflag:s24], $0xFA0  }
0x14f: {  	[sflag:s24] =	ssyncset.done $0x0  }
0x150: {  	s10 =	sadd.s32 $0x2800, s9;
	[sflag:s24] =	ssyncadd.s32 $0xFFFFF060  }
0x151: {  	[spmem:s3] =	stream.indirect.scatter.add.f32 [tilespmem:s31], [sflag:$0x5], $0x20, s10, s30, $0xb8;
	[tilespmem:$0x1F920] =	vst v63  }
0x152: {  	_ =	swait.ge [sflag:s21], $0xFA0  }
0x153: {  	[sflag:s21] =	ssyncset.done $0x0  }
0x154: {  	[sflag:s21] =	ssyncadd.s32 $0xFFFFF060  }
0x155: {  	_ =	swait.ge [sflag:s25], $0xFA0  }
0x156: {  	[sflag:s25] =	ssyncset.done $0x0  }
0x157: {  	s10 =	sadd.s32 $0x2880, s9;
	[sflag:s25] =	ssyncadd.s32 $0xFFFFF060  }
0x158: {  	[spmem:s3] =	stream.indirect.scatter.add.f32 [tilespmem:s0], [sflag:$0x5], $0x20, s10, s30, $0xb8;
	[tilespmem:$0x1F920] =	vst v63  }
0x159: {  	_ =	swait.ge [sflag:s21], $0xFA0  }
0x15a: {  	[sflag:s21] =	ssyncset.done $0x0  }
0x15b: {  	[sflag:s21] =	ssyncadd.s32 $0xFFFFF060  }
0x15c: {  	_ =	swait.ge [sflag:s26], $0xFA0  }
0x15d: {  	[sflag:s26] =	ssyncset.done $0x0  }
0x15e: {  	s10 =	sadd.s32 $0x2900, s9;
	[sflag:s26] =	ssyncadd.s32 $0xFFFFF060  }
0x15f: {  	[spmem:s3] =	stream.indirect.scatter.add.f32 [tilespmem:s1], [sflag:$0x5], $0x20, s10, s30, $0xb8;
	[tilespmem:$0x1F920] =	vst v63  }
0x160: {  	_ =	swait.ge [sflag:s21], $0xFA0  }
0x161: {  	[sflag:s21] =	ssyncset.done $0x0  }
0x162: {  	[sflag:s21] =	ssyncadd.s32 $0xFFFFF060  }
0x163: {  	_ =	swait.ge [sflag:s28], $0xFA0  }
.Ltmp2:
0x164: {  	[sflag:s28] =	ssyncset.done $0x0;
	(pc) =	sbr.rel @p0 .LBB2_6-.Ltmp2, $4  }
0x165: {  	s9 =	sadd.s32 $0x2980, s9;
	[sflag:s28] =	ssyncadd.s32 $0xFFFFF060  }
0x166: {  	[spmem:s3] =	stream.indirect.scatter.add.f32 [tilespmem:s2], [sflag:$0x5], $0x20, s9, s30, $0xb8;
	[tilespmem:$0x1F920] =	vst v63  }
0x167: {  	_ =	swait.ge [sflag:s21], $0xFA0  }
0x168: {  	s10 =	smov.u32 s8;
	[sflag:s21] =	ssyncset.done $0x0  }
0x169: {  	s6 =	sshra.s32 s6, $0x2;
	[sflag:s21] =	ssyncadd.s32 $0xFFFFF060  }
0x16a: {  	[tilespmem:s31], [sflag:$0x1] =	stream.indirect.gather [hbm4b:s5+s30], $0x20, s6, s30, $0xb8;
	[tilespmem:$0x1F920] =	vst v63  }
0x16b: {  	s8 =	sadd.s32 $0x80, s6  }
0x16c: {  	[tilespmem:s0], [sflag:$0x2] =	stream.indirect.gather [hbm4b:s5+s30], $0x20, s8, s30, $0xb8;
	[tilespmem:$0x1F920] =	vst v63  }
0x16d: {  	s22 =	sadd.s32 $0x100, s6  }
0x16e: {  	[tilespmem:s1], [sflag:$0x3] =	stream.indirect.gather [hbm4b:s5+s30], $0x20, s22, s30, $0xb8;
	[tilespmem:$0x1F920] =	vst v63  }
0x16f: {  	s23 =	sadd.s32 $0x180, s6  }
0x170: {  	[tilespmem:s2], [sflag:$0x4] =	stream.indirect.gather [hbm4b:s5+s30], $0x20, s23, s30, $0xb8;
	[tilespmem:$0x1F920] =	vst v63  }
0x171: {  	_ =	swait.ge [sflag:s24], $0xFA0  }
0x172: {  	[sflag:s24] =	ssyncset.done $0x0  }
0x173: {  	s9 =	sadd.s32 $0x2800, s6;
	[sflag:s24] =	ssyncadd.s32 $0xFFFFF060  }
0x174: {  	[spmem:s3] =	stream.indirect.scatter.add.f32 [tilespmem:s31], [sflag:$0x5], $0x20, s9, s30, $0xb8;
	[tilespmem:$0x1F920] =	vst v63  }
0x175: {  	_ =	swait.ge [sflag:s21], $0xFA0  }
0x176: {  	[sflag:s21] =	ssyncset.done $0x0  }
0x177: {  	[sflag:s21] =	ssyncadd.s32 $0xFFFFF060  }
0x178: {  	_ =	swait.ge [sflag:s25], $0xFA0  }
0x179: {  	[sflag:s25] =	ssyncset.done $0x0  }
0x17a: {  	s10 =	sadd.s32 $0x2880, s6;
	[sflag:s25] =	ssyncadd.s32 $0xFFFFF060  }
0x17b: {  	[spmem:s3] =	stream.indirect.scatter.add.f32 [tilespmem:s0], [sflag:$0x5], $0x20, s10, s30, $0xb8;
	[tilespmem:$0x1F920] =	vst v63  }
0x17c: {  	_ =	swait.ge [sflag:s21], $0xFA0  }
0x17d: {  	[sflag:s21] =	ssyncset.done $0x0  }
0x17e: {  	[sflag:s21] =	ssyncadd.s32 $0xFFFFF060  }
0x17f: {  	_ =	swait.ge [sflag:s26], $0xFA0  }
0x180: {  	[sflag:s26] =	ssyncset.done $0x0  }
0x181: {  	s22 =	sadd.s32 $0x2900, s6;
	[sflag:s26] =	ssyncadd.s32 $0xFFFFF060  }
0x182: {  	[spmem:s3] =	stream.indirect.scatter.add.f32 [tilespmem:s1], [sflag:$0x5], $0x20, s22, s30, $0xb8;
	[tilespmem:$0x1F920] =	vst v63  }
0x183: {  	_ =	swait.ge [sflag:s21], $0xFA0  }
0x184: {  	[sflag:s21] =	ssyncset.done $0x0  }
0x185: {  	[sflag:s21] =	ssyncadd.s32 $0xFFFFF060  }
0x186: {  	_ =	swait.ge [sflag:s28], $0xFA0  }
0x187: {  	[sflag:s28] =	ssyncset.done $0x0  }
0x188: {  	s6 =	sadd.s32 $0x2980, s6;
	[sflag:s28] =	ssyncadd.s32 $0xFFFFF060  }
0x189: {  	[spmem:s3] =	stream.indirect.scatter.add.f32 [tilespmem:s2], [sflag:$0x5], $0x20, s6, s30, $0xb8;
	[tilespmem:$0x1F920] =	vst v63  }
0x18a: {  	_ =	swait.ge [sflag:s21], $0xFA0  }
0x18b: {  	s18 =	sadd.s32 $0x1, s18;
	[sflag:s21] =	ssyncset.done $0x0  }
0x18c: {  	p0 =	sne.s32 s18, s16;
	[sflag:s21] =	ssyncadd.s32 $0xFFFFF060  }
.Ltmp3:
0x18d: {  	s23 =	sor.u32 $0x1C05, s7;
	[bflag:$0x0] =	sbarrier.arrive $0xFFFF;
	(pc) =	sbr.rel @p0 .LBB2_1-.Ltmp3, $4  }
0x18e: {  	[hbm:s15], [sflag:s23] =	dma.local [spmem:s17], $0xA00  }
0x18f: {  	_ =	swait.ge [sflag:s21], $0xA00  }
0x190: {  	[sflag:s21] =	ssyncset.done $0x0  }
0x191: {  	[sflag:s21] =	ssyncadd.s32 $0xFFFFF600  }
0x192: {  	_ =	sfence.sel $0x180000  }
0x193: {  	[bflag:$0x0] =	sbarrier.arrive $0xFFFF  }
0x194: {  	_ =	strace $0x9000004A  }
0x195: {  	s0 =	stileid.u32;
	[bflag:$0x2] =	sbarrier.arrive $0xFFFF  }
0x196: {  	p0 =	sne.s32 s0, $0x0;
	s0 =	rddreg [dreg:$0x4]  }
0x197: {  	s0 =	sadd.s32 @!p0 $0x100000, s0  }
0x198: {  	[sflag:s0] =	ssyncadd.tile.s32 @!p0 $0x1;
	_ =	shalt  }
.Lfunc_end2:
_tile_overlayer_lowered:
.L_overlay_start_2:
0x199: {  	(tag) =	ssettag $0x2  }
0x19a: {  	s0 =	rddreg [dreg:$0x0];
	s2 =	stileid.u32  }
0x19b: {  	s1 =	rddreg [dreg:$0x1];
	p0 =	sne.s32 s2, $0x0  }
0x19c: {  	s3 =	rddreg [dreg:$0x2];
	[bflag:$0x3] =	sbarrier.arrive $0xFFFF;
	s2 =	simm.s32 @!p0 $0x1C05  }
0x19d: {  	[timem:s3], [sflag:s2] =	dma.local @!p0 [hbm:s0], s1  }
0x19e: {  	s0 =	simm.s32 @!p0 $0x5  }
0x19f: {  	_ =	swait.ge @!p0 [sflag:s0], s1  }
0x1a0: {  	s1 =	ssub.s32 @!p0 $0x0, s1;
	[sflag:s0] =	ssyncset.done @!p0 $0x0  }
0x1a1: {  	[sflag:s0] =	ssyncadd.s32 @!p0 s1  }
0x1a2: {  	[bflag:$0x3] =	sbarrier.arrive $0xFFFF  }
0x1a3: {  	_ =	shalt  }

</sc_bundles>
